<compile_context>
chip_gen: v7x
topology: tpu7x:2x2x1
jax: 0.10.2.dev20260603
libtpu: 0.0.44.dev20260713+nightly
codegen_flags: <defaults>
</compile_context>

<pallas_src>
import functools

import jax
import jax.numpy as jnp
from jax import lax
from jax.experimental import pallas as pl
from jax.experimental.pallas import tpu as pltpu
from jax.experimental.pallas import tpu_sc as plsc

N = 10000
E = 320000
D = 128
G2 = 256
BN_EPS = 1e-5

NC = 2
NS = 16
NW = NC * NS
PER_W = E // NW
CHUNK = 125
NCH = PER_W // CHUNK
NHALF = 2
NCHH = NCH // NHALF
NROW = 624
NTAIL = N - NS * NROW

BLK = 2000
NBLK = N // BLK


def _sc_segment_sum(h, src2d, dst2d, zrows):
  mesh = plsc.VectorSubcoreMesh(core_axis_name="c", subcore_axis_name="s")

  @functools.partial(
      pl.kernel,
      out_type=jax.ShapeDtypeStruct((NC, N, D), jnp.float32),
      mesh=mesh,
      scratch_types=[
          pltpu.VMEM((NCHH, CHUNK), jnp.int32),
          pltpu.VMEM((NCHH, CHUNK), jnp.int32),
          pltpu.VMEM((2, CHUNK, D), jnp.float32),
          pltpu.VMEM_SHARED((N, D), jnp.float32),
          pltpu.SemaphoreType.DMA,
          pltpu.SemaphoreType.DMA,
          pltpu.SemaphoreType.DMA,
      ],
  )
  def agg_kernel(h_hbm, src_hbm, dst_hbm, z_hbm, out_hbm,
                 idx_s, idx_d, rows, acc, sem0, sem1, semz):
    c = lax.axis_index("c")
    s = lax.axis_index("s")
    gw = c * NS + s
    pltpu.async_copy(z_hbm.at[pl.ds(0, NROW)],
                     acc.at[pl.ds(s * NROW, NROW)], semz)

    @pl.when(s == NS - 1)
    def _():
      pltpu.sync_copy(z_hbm.at[pl.ds(0, NTAIL)],
                      acc.at[pl.ds(NS * NROW, NTAIL)])

    for half in range(NHALF):
      base = gw * NCH + half * NCHH
      pltpu.sync_copy(src_hbm.at[pl.ds(base, NCHH)], idx_s)
      pltpu.sync_copy(dst_hbm.at[pl.ds(base, NCHH)], idx_d)
      if half == 0:
        pltpu.make_async_copy(z_hbm.at[pl.ds(0, NROW)],
                              acc.at[pl.ds(s * NROW, NROW)], semz).wait()
        plsc.subcore_barrier()

      pltpu.async_copy(h_hbm.at[idx_s.at[0]], rows.at[0], sem0)

      def body(jj, carry):
        j0 = 2 * jj
        pltpu.async_copy(h_hbm.at[idx_s.at[j0 + 1]], rows.at[1], sem1)
        pltpu.make_async_copy(h_hbm.at[idx_s.at[j0]], rows.at[0], sem0).wait()
        pltpu.sync_copy(rows.at[0], acc.at[idx_d.at[j0]], add=True)

        @pl.when(jj + 1 < NCHH // 2)
        def _():
          pltpu.async_copy(h_hbm.at[idx_s.at[j0 + 2]], rows.at[0], sem0)

        pltpu.make_async_copy(h_hbm.at[idx_s.at[j0 + 1]], rows.at[1],
                              sem1).wait()
        pltpu.sync_copy(rows.at[1], acc.at[idx_d.at[j0 + 1]], add=True)
        return carry

      lax.fori_loop(0, NCHH // 2, body, 0)

    plsc.subcore_barrier()
    pltpu.sync_copy(acc.at[pl.ds(s * NROW, NROW)],
                    out_hbm.at[c, pl.ds(s * NROW, NROW)])

    @pl.when(s == NS - 1)
    def _():
      pltpu.sync_copy(acc.at[pl.ds(NS * NROW, NTAIL)],
                      out_hbm.at[c, pl.ds(NS * NROW, NTAIL)])

  return agg_kernel(h, src2d, dst2d, zrows)


def _dot(a, b):
  return lax.dot_general(a.astype(jnp.bfloat16), b.astype(jnp.bfloat16),
                         (((1,), (0,)), ((), ())),
                         preferred_element_type=jnp.float32)


_BN_SCALE = (1.0 + BN_EPS) ** -0.5


def _gin_mlp(h, agg_ref, eps_ref, w1_ref, b1_ref, g_ref, bb_ref, w2_ref,
             b2_ref):
  z = h * (1.0 + eps_ref[0, 0]) + agg_ref[0] + agg_ref[1]
  gs = g_ref[...] * _BN_SCALE
  u = jnp.tanh(_dot(z, w1_ref[...]) * gs + b1_ref[...] * gs + bb_ref[...])
  return jnp.tanh(_dot(u, w2_ref[...]) + b2_ref[...])


def _mlp1_body(eps_ref, x_ref, agg_ref, w1_ref, b1_ref, g_ref, bb_ref,
               w2_ref, b2_ref, o_ref):
  o_ref[...] = _gin_mlp(x_ref[...], agg_ref, eps_ref, w1_ref, b1_ref, g_ref,
                        bb_ref, w2_ref, b2_ref)


def _mlp2_body(eps_ref, h_ref, agg_ref, w1_ref, b1_ref, g_ref, bb_ref,
               w2_ref, b2_ref, lw_ref, lb_ref, o_ref):
  v = _gin_mlp(h_ref[...], agg_ref, eps_ref, w1_ref, b1_ref, g_ref, bb_ref,
               w2_ref, b2_ref)
  o_ref[...] = jnp.tanh(_dot(v, lw_ref[...]) + lb_ref[...])


def _full(shape):
  return pl.BlockSpec(shape, lambda i: tuple(0 for _ in shape))


def _tc_layer1(x, agg, eps, w1, b1, g, bb, w2, b2):
  return pl.pallas_call(
      _mlp1_body,
      grid=(NBLK,),
      in_specs=[
          _full((1, 1)),
          pl.BlockSpec((BLK, D), lambda i: (i, 0)),
          pl.BlockSpec((NC, BLK, D), lambda i: (0, i, 0)),
          _full((D, G2)),
          _full((1, G2)),
          _full((1, G2)),
          _full((1, G2)),
          _full((G2, D)),
          _full((1, D)),
      ],
      out_specs=pl.BlockSpec((BLK, D), lambda i: (i, 0)),
      out_shape=jax.ShapeDtypeStruct((N, D), jnp.float32),
  )(eps, x, agg, w1, b1, g, bb, w2, b2)


def _tc_layer2(h, agg, eps, w1, b1, g, bb, w2, b2, lw, lb):
  return pl.pallas_call(
      _mlp2_body,
      grid=(NBLK,),
      in_specs=[
          _full((1, 1)),
          pl.BlockSpec((BLK, D), lambda i: (i, 0)),
          pl.BlockSpec((NC, BLK, D), lambda i: (0, i, 0)),
          _full((D, G2)),
          _full((1, G2)),
          _full((1, G2)),
          _full((1, G2)),
          _full((G2, D)),
          _full((1, D)),
          _full((D, D)),
          _full((1, D)),
      ],
      out_specs=pl.BlockSpec((BLK, D), lambda i: (i, 0)),
      out_shape=jax.ShapeDtypeStruct((N, D), jnp.float32),
  )(eps, h, agg, w1, b1, g, bb, w2, b2, lw, lb)


def kernel(x, edge_index, edge_attr, eps0, W1_0, b1_0, bn_g0, bn_b0, W2_0,
           b2_0, eps1, W1_1, b1_1, bn_g1, bn_b1, W2_1, b2_1, lin_W, lin_b):
  src2d = edge_index[0].reshape(NW * NCH, CHUNK)
  dst2d = edge_index[1].reshape(NW * NCH, CHUNK)
  zrows = jnp.zeros((NROW, D), jnp.float32)

  agg0 = _sc_segment_sum(x, src2d, dst2d, zrows)
  h1 = _tc_layer1(x, agg0, eps0.reshape(1, 1), W1_0, b1_0.reshape(1, G2),
                  bn_g0.reshape(1, G2), bn_b0.reshape(1, G2), W2_0,
                  b2_0.reshape(1, D))
  agg1 = _sc_segment_sum(h1, src2d, dst2d, zrows)
  out = _tc_layer2(h1, agg1, eps1.reshape(1, 1), W1_1, b1_1.reshape(1, G2),
                   bn_g1.reshape(1, G2), bn_b1.reshape(1, G2), W2_1,
                   b2_1.reshape(1, D), lin_W, lin_b.reshape(1, D))
  return out

# --- scband reference (transcript-rebuilt; emitter-appended) ---
"""Pipeline reference for scband-gnn-69166153335013 (READ-ONLY COPY).

The authoritative reference and input builder live on the scoring server;
editing this copy changes nothing except your own understanding.
"""

import jax, jax.numpy as jnp
import numpy as np

N = 10000
E = 320000
D = 128
G = 128
BN_EPS = 1e-5


def setup_inputs(seed: int = 0) -> dict:
    key = jax.random.key(seed)
    ks = jax.random.split(key, 24)
    x = jax.random.normal(ks[0], (N, D), dtype=jnp.float32)
    edge_index = jax.random.randint(ks[1], (2, E), 0, N, dtype=jnp.int32)
    edge_attr = jax.random.randint(ks[2], (E,), 0, 32, dtype=jnp.int32)
    s = 0.05
    params = {
        'eps0': jnp.zeros((), dtype=jnp.float32),
        'W1_0': jax.random.normal(ks[3], (D, 2 * G), dtype=jnp.float32) * s,
        'b1_0': jnp.zeros((2 * G,), dtype=jnp.float32),
        'bn_g0': jnp.ones((2 * G,), dtype=jnp.float32),
        'bn_b0': jnp.zeros((2 * G,), dtype=jnp.float32),
        'W2_0': jax.random.normal(ks[4], (2 * G, G), dtype=jnp.float32) * s,
        'b2_0': jnp.zeros((G,), dtype=jnp.float32),
        'eps1': jnp.zeros((), dtype=jnp.float32),
        'W1_1': jax.random.normal(ks[5], (G, 2 * G), dtype=jnp.float32) * s,
        'b1_1': jnp.zeros((2 * G,), dtype=jnp.float32),
        'bn_g1': jnp.ones((2 * G,), dtype=jnp.float32),
        'bn_b1': jnp.zeros((2 * G,), dtype=jnp.float32),
        'W2_1': jax.random.normal(ks[6], (2 * G, G), dtype=jnp.float32) * s,
        'b2_1': jnp.zeros((G,), dtype=jnp.float32),
        'lin_W': jax.random.normal(ks[7], (G, G), dtype=jnp.float32) * s,
        'lin_b': jnp.zeros((G,), dtype=jnp.float32),
    }
    inp = {'x': x, 'edge_index': edge_index, 'edge_attr': edge_attr}
    inp.update(params)
    return inp


def _gin_layer(h, src, dst, eps, W1, b1, bn_g, bn_b, W2, b2):
    # GINConv: nn((1+eps)*x + sum_{j->i} x_j)
    msgs = jnp.take(h, src, axis=0)
    agg = jax.ops.segment_sum(msgs, dst, num_segments=N)
    out = (1.0 + eps) * h + agg
    out = out @ W1 + b1
    # BatchNorm1d in eval mode: running_mean=0, running_var=1
    out = bn_g * (out / jnp.sqrt(1.0 + BN_EPS)) + bn_b
    out = jnp.tanh(out)
    out = out @ W2 + b2
    return out


def reference(x, edge_index, edge_attr, eps0, W1_0, b1_0, bn_g0, bn_b0, W2_0, b2_0,
              eps1, W1_1, b1_1, bn_g1, bn_b1, W2_1, b2_1, lin_W, lin_b):
    src = edge_index[0]
    dst = edge_index[1]
    h = x  # dropout_e is identity in eval mode
    h = _gin_layer(h, src, dst, eps0, W1_0, b1_0, bn_g0, bn_b0, W2_0, b2_0)
    h = jnp.tanh(h)
    h = _gin_layer(h, src, dst, eps1, W1_1, b1_1, bn_g1, bn_b1, W2_1, b2_1)
    h = jnp.tanh(h)
    out = h @ lin_W + lin_b
    out = jnp.tanh(out)
    return out

if __name__ == "__main__":
    import jax
    _d = setup_inputs()
    print(jax.jit(kernel)(*tuple(_d.values())))

</pallas_src>

<mosaic_0001>
#map = affine_map<(d0, d1) -> (0, 0)>
#map1 = affine_map<(d0, d1) -> (0, 0, 0)>
module attributes {stable_mosaic.version = 14 : i64} {
  func.func @agg_kernel(%arg0: i32, %arg1: i32, %arg2: memref<10000x128xf32, #tpu.memory_space<hbm>>, %arg3: memref<2560x125xi32, #tpu.memory_space<hbm>>, %arg4: memref<2560x125xi32, #tpu.memory_space<hbm>>, %arg5: memref<624x128xf32, #tpu.memory_space<hbm>>, %arg6: memref<2x10000x128xf32, #tpu.memory_space<hbm>>, %arg7: memref<40x125xi32, #tpu.memory_space<vmem>>, %arg8: memref<40x125xi32, #tpu.memory_space<vmem>>, %arg9: memref<2x125x128xf32, #tpu.memory_space<vmem>>, %arg10: memref<10000x128xf32, #tpu.memory_space<vmem_shared>>, %arg11: memref<!tpu.dma_semaphore, #tpu.memory_space<semaphore_mem>>, %arg12: memref<!tpu.dma_semaphore, #tpu.memory_space<semaphore_mem>>, %arg13: memref<!tpu.dma_semaphore, #tpu.memory_space<semaphore_mem>>) attributes {dimension_semantics = [#tpu.dimension_semantics<core_parallel>, #tpu.dimension_semantics<subcore_parallel>], iteration_bounds = array<i64: 2, 16>, scalar_prefetch = 0 : i64, scratch_operands = 7 : i64, tpu.core_type = #tpu.core_type<sc_vector_subcore>, window_params = [{transform_indices = #map}, {transform_indices = #map}, {transform_indices = #map}, {transform_indices = #map}, {transform_indices = #map1}]} {
    %mul3A = arith.constant 16 : i32
    %mul3A_0 = arith.muli %arg0, %mul3A : i32
    %add3A = arith.addi %mul3A_0, %arg1 : i32
    %mul3A_1 = arith.constant 624 : i32
    %mul3A_2 = arith.muli %arg1, %mul3A_1 : i32
    %dma_start3A = arith.constant 0 : i32
    %dma_start3A_3 = tpu.memref_slice %arg10[%mul3A_2, %dma_start3A] : memref<10000x128xf32, #tpu.memory_space<vmem_shared>> -> memref<624x128xf32, #tpu.memory_space<vmem_shared>>
    %dma_start3A_4 = arith.constant 0 : i32
    %dma_start3A_5 = arith.constant 0 : i32
    %dma_start3A_6 = tpu.memref_slice %arg5[%dma_start3A_4, %dma_start3A_5] : memref<624x128xf32, #tpu.memory_space<hbm>> -> memref<624x128xf32, #tpu.memory_space<hbm>>
    tpu.enqueue_dma source(%dma_start3A_6 : memref<624x128xf32, #tpu.memory_space<hbm>>) target(%dma_start3A_3 : memref<624x128xf32, #tpu.memory_space<vmem_shared>>) target_semaphore(%arg13 : memref<!tpu.dma_semaphore, #tpu.memory_space<semaphore_mem>>)
    %eq3A = arith.constant 15 : i32
    %eq3A_7 = arith.cmpi eq, %arg1, %eq3A : i32
    %convert_element_type3A = arith.extui %eq3A_7 : i1 to i32
    %cond3A = arith.constant 0 : i32
    %cond3A_8 = arith.cmpi ne, %convert_element_type3A, %cond3A : i32
    scf.if %cond3A_8 {
      "tpu.region"() ({
        %run_scoped3A = tpu.sem_alloc : memref<!tpu.dma_semaphore, #tpu.memory_space<semaphore_mem>>
        %dma_start3A_68 = arith.constant 9984 : i32
        %dma_start3A_69 = arith.constant 0 : i32
        %dma_start3A_70 = tpu.memref_slice %arg10[%dma_start3A_68, %dma_start3A_69] : memref<10000x128xf32, #tpu.memory_space<vmem_shared>> -> memref<16x128xf32, #tpu.memory_space<vmem_shared>>
        %dma_start3A_71 = arith.constant 0 : i32
        %dma_start3A_72 = arith.constant 0 : i32
        %dma_start3A_73 = tpu.memref_slice %arg5[%dma_start3A_71, %dma_start3A_72] : memref<624x128xf32, #tpu.memory_space<hbm>> -> memref<16x128xf32, #tpu.memory_space<hbm>>
        tpu.enqueue_dma source(%dma_start3A_73 : memref<16x128xf32, #tpu.memory_space<hbm>>) target(%dma_start3A_70 : memref<16x128xf32, #tpu.memory_space<vmem_shared>>) target_semaphore(%run_scoped3A : memref<!tpu.dma_semaphore, #tpu.memory_space<semaphore_mem>>)
        %dma_wait3A_74 = arith.constant 9984 : i32
        %dma_wait3A_75 = arith.constant 0 : i32
        %dma_wait3A_76 = tpu.memref_slice %arg10[%dma_wait3A_74, %dma_wait3A_75] : memref<10000x128xf32, #tpu.memory_space<vmem_shared>> -> memref<16x128xf32, #tpu.memory_space<vmem_shared>>
        %dma_wait3A_77 = arith.constant 0 : i32
        %dma_wait3A_78 = arith.constant 0 : i32
        %dma_wait3A_79 = tpu.memref_slice %arg5[%dma_wait3A_77, %dma_wait3A_78] : memref<624x128xf32, #tpu.memory_space<hbm>> -> memref<16x128xf32, #tpu.memory_space<hbm>>
        tpu.wait_dma2 semaphore(%run_scoped3A : memref<!tpu.dma_semaphore, #tpu.memory_space<semaphore_mem>>) src(%dma_wait3A_79 : memref<16x128xf32, #tpu.memory_space<hbm>>) dst(%dma_wait3A_76 : memref<16x128xf32, #tpu.memory_space<vmem_shared>>)
        tpu.yield
      }) : () -> ()
    } else {
    }
    %mul3A_9 = arith.constant 80 : i32
    %mul3A_10 = arith.muli %add3A, %mul3A_9 : i32
    %add3A_11 = arith.constant 0 : i32
    %add3A_12 = arith.addi %mul3A_10, %add3A_11 : i32
    "tpu.region"() ({
      %run_scoped3A = tpu.sem_alloc : memref<!tpu.dma_semaphore, #tpu.memory_space<semaphore_mem>>
      %dma_start3A_68 = arith.constant 0 : i32
      %dma_start3A_69 = tpu.memref_slice %arg3[%add3A_12, %dma_start3A_68] : memref<2560x125xi32, #tpu.memory_space<hbm>> -> memref<40x125xi32, #tpu.memory_space<hbm>>
      %dma_start3A_70 = arith.constant 0 : i32
      %dma_start3A_71 = tpu.memref_slice %arg3[%add3A_12, %dma_start3A_70] : memref<2560x125xi32, #tpu.memory_space<hbm>> -> memref<40x125xi32, #tpu.memory_space<hbm>>
      tpu.enqueue_dma source(%dma_start3A_71 : memref<40x125xi32, #tpu.memory_space<hbm>>) target(%arg7 : memref<40x125xi32, #tpu.memory_space<vmem>>) target_semaphore(%run_scoped3A : memref<!tpu.dma_semaphore, #tpu.memory_space<semaphore_mem>>)
      %dma_wait3A_72 = arith.constant 0 : i32
      %dma_wait3A_73 = tpu.memref_slice %arg3[%add3A_12, %dma_wait3A_72] : memref<2560x125xi32, #tpu.memory_space<hbm>> -> memref<40x125xi32, #tpu.memory_space<hbm>>
      %dma_wait3A_74 = arith.constant 0 : i32
      %dma_wait3A_75 = tpu.memref_slice %arg3[%add3A_12, %dma_wait3A_74] : memref<2560x125xi32, #tpu.memory_space<hbm>> -> memref<40x125xi32, #tpu.memory_space<hbm>>
      tpu.wait_dma2 semaphore(%run_scoped3A : memref<!tpu.dma_semaphore, #tpu.memory_space<semaphore_mem>>) src(%dma_wait3A_75 : memref<40x125xi32, #tpu.memory_space<hbm>>) dst(%arg7 : memref<40x125xi32, #tpu.memory_space<vmem>>)
      tpu.yield
    }) : () -> ()
    "tpu.region"() ({
      %run_scoped3A = tpu.sem_alloc : memref<!tpu.dma_semaphore, #tpu.memory_space<semaphore_mem>>
      %dma_start3A_68 = arith.constant 0 : i32
      %dma_start3A_69 = tpu.memref_slice %arg4[%add3A_12, %dma_start3A_68] : memref<2560x125xi32, #tpu.memory_space<hbm>> -> memref<40x125xi32, #tpu.memory_space<hbm>>
      %dma_start3A_70 = arith.constant 0 : i32
      %dma_start3A_71 = tpu.memref_slice %arg4[%add3A_12, %dma_start3A_70] : memref<2560x125xi32, #tpu.memory_space<hbm>> -> memref<40x125xi32, #tpu.memory_space<hbm>>
      tpu.enqueue_dma source(%dma_start3A_71 : memref<40x125xi32, #tpu.memory_space<hbm>>) target(%arg8 : memref<40x125xi32, #tpu.memory_space<vmem>>) target_semaphore(%run_scoped3A : memref<!tpu.dma_semaphore, #tpu.memory_space<semaphore_mem>>)
      %dma_wait3A_72 = arith.constant 0 : i32
      %dma_wait3A_73 = tpu.memref_slice %arg4[%add3A_12, %dma_wait3A_72] : memref<2560x125xi32, #tpu.memory_space<hbm>> -> memref<40x125xi32, #tpu.memory_space<hbm>>
      %dma_wait3A_74 = arith.constant 0 : i32
      %dma_wait3A_75 = tpu.memref_slice %arg4[%add3A_12, %dma_wait3A_74] : memref<2560x125xi32, #tpu.memory_space<hbm>> -> memref<40x125xi32, #tpu.memory_space<hbm>>
      tpu.wait_dma2 semaphore(%run_scoped3A : memref<!tpu.dma_semaphore, #tpu.memory_space<semaphore_mem>>) src(%dma_wait3A_75 : memref<40x125xi32, #tpu.memory_space<hbm>>) dst(%arg8 : memref<40x125xi32, #tpu.memory_space<vmem>>)
      tpu.yield
    }) : () -> ()
    %mul3A_13 = arith.constant 624 : i32
    %mul3A_14 = arith.muli %arg1, %mul3A_13 : i32
    %dma_wait3A = arith.constant 0 : i32
    %dma_wait3A_15 = tpu.memref_slice %arg10[%mul3A_14, %dma_wait3A] : memref<10000x128xf32, #tpu.memory_space<vmem_shared>> -> memref<624x128xf32, #tpu.memory_space<vmem_shared>>
    %dma_wait3A_16 = arith.constant 0 : i32
    %dma_wait3A_17 = arith.constant 0 : i32
    %dma_wait3A_18 = tpu.memref_slice %arg5[%dma_wait3A_16, %dma_wait3A_17] : memref<624x128xf32, #tpu.memory_space<hbm>> -> memref<624x128xf32, #tpu.memory_space<hbm>>
    tpu.wait_dma2 semaphore(%arg13 : memref<!tpu.dma_semaphore, #tpu.memory_space<semaphore_mem>>) src(%dma_wait3A_18 : memref<624x128xf32, #tpu.memory_space<hbm>>) dst(%dma_wait3A_15 : memref<624x128xf32, #tpu.memory_space<vmem_shared>>)
    %barrier3A = arith.constant 0 : index
    tpu.barrier barrier_id(%barrier3A)
    %dma_start3A_19 = arith.constant 0 : i32
    %dma_start3A_20 = arith.constant 0 : i32
    %dma_start3A_21 = arith.constant 0 : i32
    %dma_start3A_22 = arith.constant 0 : i32
    %dma_start3A_23 = tpu.memref_slice %arg9[%dma_start3A_20, %dma_start3A_21, %dma_start3A_22] : memref<2x125x128xf32, #tpu.memory_space<vmem>> -> memref<1x125x128xf32, #tpu.memory_space<vmem>>
    %dma_start3A_24 = tpu.memref_squeeze %dma_start3A_23 : memref<1x125x128xf32, #tpu.memory_space<vmem>> -> memref<125x128xf32, #tpu.memory_space<vmem>>
    %dma_start3A_25 = arith.constant 0 : i32
    %dma_start3A_26 = tpu.memref_slice %arg7[%dma_start3A_19, %dma_start3A_25] : memref<40x125xi32, #tpu.memory_space<vmem>> -> memref<1x125xi32, #tpu.memory_space<vmem>>
    %dma_start3A_27 = tpu.memref_squeeze %dma_start3A_26 : memref<1x125xi32, #tpu.memory_space<vmem>> -> memref<125xi32, #tpu.memory_space<vmem>>
    %dma_start3A_28 = arith.constant 0 : i32
    %dma_start3A_29 = arith.constant 0 : i32
    %dma_start3A_30 = tpu.memref_slice %arg2[%dma_start3A_28, %dma_start3A_29] : memref<10000x128xf32, #tpu.memory_space<hbm>> -> memref<10000x128xf32, #tpu.memory_space<hbm>>
    tpu.enqueue_indirect_dma source(%dma_start3A_30 : memref<10000x128xf32, #tpu.memory_space<hbm>>) target(%dma_start3A_24 : memref<125x128xf32, #tpu.memory_space<vmem>>) offsets(%dma_start3A_27 : memref<125xi32, #tpu.memory_space<vmem>>) semaphore(%arg11 : memref<!tpu.dma_semaphore, #tpu.memory_space<semaphore_mem>>)
    %scan3A = arith.constant 0 : i32
    %scan3A_31 = arith.constant 0 : i32
    %scan3A_32 = arith.constant 20 : i32
    %scan3A_33 = arith.addi %scan3A_31, %scan3A_32 : i32
    %scan3A_34 = arith.constant 1 : i32
    scf.for %scan3A_68 = %scan3A_31 to %scan3A_33 step %scan3A_34  : i32 {
      %mul3A_69 = arith.constant 2 : i32
      %mul3A_70 = arith.muli %mul3A_69, %scan3A_68 : i32
      %add3A_71 = arith.constant 1 : i32
      %add3A_72 = arith.addi %mul3A_70, %add3A_71 : i32
      %dma_start3A_73 = arith.constant 1 : i32
      %dma_start3A_74 = arith.constant 0 : i32
      %dma_start3A_75 = arith.constant 0 : i32
      %dma_start3A_76 = tpu.memref_slice %arg9[%dma_start3A_73, %dma_start3A_74, %dma_start3A_75] : memref<2x125x128xf32, #tpu.memory_space<vmem>> -> memref<1x125x128xf32, #tpu.memory_space<vmem>>
      %dma_start3A_77 = tpu.memref_squeeze %dma_start3A_76 : memref<1x125x128xf32, #tpu.memory_space<vmem>> -> memref<125x128xf32, #tpu.memory_space<vmem>>
      %dma_start3A_78 = arith.constant 0 : i32
      %dma_start3A_79 = tpu.memref_slice %arg7[%add3A_72, %dma_start3A_78] : memref<40x125xi32, #tpu.memory_space<vmem>> -> memref<1x125xi32, #tpu.memory_space<vmem>>
      %dma_start3A_80 = tpu.memref_squeeze %dma_start3A_79 : memref<1x125xi32, #tpu.memory_space<vmem>> -> memref<125xi32, #tpu.memory_space<vmem>>
      %dma_start3A_81 = arith.constant 0 : i32
      %dma_start3A_82 = arith.constant 0 : i32
      %dma_start3A_83 = tpu.memref_slice %arg2[%dma_start3A_81, %dma_start3A_82] : memref<10000x128xf32, #tpu.memory_space<hbm>> -> memref<10000x128xf32, #tpu.memory_space<hbm>>
      tpu.enqueue_indirect_dma source(%dma_start3A_83 : memref<10000x128xf32, #tpu.memory_space<hbm>>) target(%dma_start3A_77 : memref<125x128xf32, #tpu.memory_space<vmem>>) offsets(%dma_start3A_80 : memref<125xi32, #tpu.memory_space<vmem>>) semaphore(%arg12 : memref<!tpu.dma_semaphore, #tpu.memory_space<semaphore_mem>>)
      %dma_wait3A_84 = arith.constant 0 : i32
      %dma_wait3A_85 = arith.constant 0 : i32
      %dma_wait3A_86 = arith.constant 0 : i32
      %dma_wait3A_87 = tpu.memref_slice %arg9[%dma_wait3A_84, %dma_wait3A_85, %dma_wait3A_86] : memref<2x125x128xf32, #tpu.memory_space<vmem>> -> memref<1x125x128xf32, #tpu.memory_space<vmem>>
      %dma_wait3A_88 = tpu.memref_squeeze %dma_wait3A_87 : memref<1x125x128xf32, #tpu.memory_space<vmem>> -> memref<125x128xf32, #tpu.memory_space<vmem>>
      %dma_wait3A_89 = arith.constant 0 : i32
      %dma_wait3A_90 = tpu.memref_slice %arg7[%mul3A_70, %dma_wait3A_89] : memref<40x125xi32, #tpu.memory_space<vmem>> -> memref<1x125xi32, #tpu.memory_space<vmem>>
      %dma_wait3A_91 = tpu.memref_squeeze %dma_wait3A_90 : memref<1x125xi32, #tpu.memory_space<vmem>> -> memref<125xi32, #tpu.memory_space<vmem>>
      %dma_wait3A_92 = arith.constant 0 : i32
      %dma_wait3A_93 = arith.constant 0 : i32
      %dma_wait3A_94 = tpu.memref_slice %arg2[%dma_wait3A_92, %dma_wait3A_93] : memref<10000x128xf32, #tpu.memory_space<hbm>> -> memref<10000x128xf32, #tpu.memory_space<hbm>>
      tpu.wait_indirect_dma semaphore(%arg11 : memref<!tpu.dma_semaphore, #tpu.memory_space<semaphore_mem>>) src(%dma_wait3A_94 : memref<10000x128xf32, #tpu.memory_space<hbm>>) dst(%dma_wait3A_88 : memref<125x128xf32, #tpu.memory_space<vmem>>)
      %run_scoped3A = arith.constant 0 : i32
      "tpu.region"() ({
        %run_scoped3A_117 = tpu.sem_alloc : memref<!tpu.dma_semaphore, #tpu.memory_space<semaphore_mem>>
        %dma_start3A_118 = arith.constant 0 : i32
        %dma_start3A_119 = arith.constant 0 : i32
        %dma_start3A_120 = tpu.memref_slice %arg9[%run_scoped3A, %dma_start3A_118, %dma_start3A_119] : memref<2x125x128xf32, #tpu.memory_space<vmem>> -> memref<1x125x128xf32, #tpu.memory_space<vmem>>
        %dma_start3A_121 = tpu.memref_squeeze %dma_start3A_120 : memref<1x125x128xf32, #tpu.memory_space<vmem>> -> memref<125x128xf32, #tpu.memory_space<vmem>>
        %dma_start3A_122 = arith.constant 0 : i32
        %dma_start3A_123 = tpu.memref_slice %arg8[%mul3A_70, %dma_start3A_122] : memref<40x125xi32, #tpu.memory_space<vmem>> -> memref<1x125xi32, #tpu.memory_space<vmem>>
        %dma_start3A_124 = tpu.memref_squeeze %dma_start3A_123 : memref<1x125xi32, #tpu.memory_space<vmem>> -> memref<125xi32, #tpu.memory_space<vmem>>
        %dma_start3A_125 = arith.constant 0 : i32
        %dma_start3A_126 = arith.constant 0 : i32
        %dma_start3A_127 = tpu.memref_slice %arg10[%dma_start3A_125, %dma_start3A_126] : memref<10000x128xf32, #tpu.memory_space<vmem_shared>> -> memref<10000x128xf32, #tpu.memory_space<vmem_shared>>
        tpu.enqueue_indirect_dma source(%dma_start3A_121 : memref<125x128xf32, #tpu.memory_space<vmem>>) target(%dma_start3A_127 : memref<10000x128xf32, #tpu.memory_space<vmem_shared>>) offsets(%dma_start3A_124 : memref<125xi32, #tpu.memory_space<vmem>>) semaphore(%run_scoped3A_117 : memref<!tpu.dma_semaphore, #tpu.memory_space<semaphore_mem>>) {add = true}
        %dma_wait3A_128 = arith.constant 0 : i32
        %dma_wait3A_129 = arith.constant 0 : i32
        %dma_wait3A_130 = tpu.memref_slice %arg9[%run_scoped3A, %dma_wait3A_128, %dma_wait3A_129] : memref<2x125x128xf32, #tpu.memory_space<vmem>> -> memref<1x125x128xf32, #tpu.memory_space<vmem>>
        %dma_wait3A_131 = tpu.memref_squeeze %dma_wait3A_130 : memref<1x125x128xf32, #tpu.memory_space<vmem>> -> memref<125x128xf32, #tpu.memory_space<vmem>>
        %dma_wait3A_132 = arith.constant 0 : i32
        %dma_wait3A_133 = tpu.memref_slice %arg8[%mul3A_70, %dma_wait3A_132] : memref<40x125xi32, #tpu.memory_space<vmem>> -> memref<1x125xi32, #tpu.memory_space<vmem>>
        %dma_wait3A_134 = tpu.memref_squeeze %dma_wait3A_133 : memref<1x125xi32, #tpu.memory_space<vmem>> -> memref<125xi32, #tpu.memory_space<vmem>>
        %dma_wait3A_135 = arith.constant 0 : i32
        %dma_wait3A_136 = arith.constant 0 : i32
        %dma_wait3A_137 = tpu.memref_slice %arg10[%dma_wait3A_135, %dma_wait3A_136] : memref<10000x128xf32, #tpu.memory_space<vmem_shared>> -> memref<10000x128xf32, #tpu.memory_space<vmem_shared>>
        tpu.wait_indirect_dma semaphore(%run_scoped3A_117 : memref<!tpu.dma_semaphore, #tpu.memory_space<semaphore_mem>>) src(%dma_wait3A_131 : memref<125x128xf32, #tpu.memory_space<vmem>>) dst(%dma_wait3A_137 : memref<10000x128xf32, #tpu.memory_space<vmem_shared>>)
        tpu.yield
      }) : () -> ()
      %add3A_95 = arith.constant 1 : i32
      %add3A_96 = arith.addi %scan3A_68, %add3A_95 : i32
      %lt3A = arith.constant 20 : i32
      %lt3A_97 = arith.cmpi slt, %add3A_96, %lt3A : i32
      %convert_element_type3A_98 = arith.extui %lt3A_97 : i1 to i32
      %cond3A_99 = arith.constant 0 : i32
      %cond3A_100 = arith.cmpi ne, %convert_element_type3A_98, %cond3A_99 : i32
      scf.if %cond3A_100 {
        %add3A_117 = arith.constant 2 : i32
        %add3A_118 = arith.addi %mul3A_70, %add3A_117 : i32
        %dma_start3A_119 = arith.constant 0 : i32
        %dma_start3A_120 = arith.constant 0 : i32
        %dma_start3A_121 = arith.constant 0 : i32
        %dma_start3A_122 = tpu.memref_slice %arg9[%dma_start3A_119, %dma_start3A_120, %dma_start3A_121] : memref<2x125x128xf32, #tpu.memory_space<vmem>> -> memref<1x125x128xf32, #tpu.memory_space<vmem>>
        %dma_start3A_123 = tpu.memref_squeeze %dma_start3A_122 : memref<1x125x128xf32, #tpu.memory_space<vmem>> -> memref<125x128xf32, #tpu.memory_space<vmem>>
        %dma_start3A_124 = arith.constant 0 : i32
        %dma_start3A_125 = tpu.memref_slice %arg7[%add3A_118, %dma_start3A_124] : memref<40x125xi32, #tpu.memory_space<vmem>> -> memref<1x125xi32, #tpu.memory_space<vmem>>
        %dma_start3A_126 = tpu.memref_squeeze %dma_start3A_125 : memref<1x125xi32, #tpu.memory_space<vmem>> -> memref<125xi32, #tpu.memory_space<vmem>>
        %dma_start3A_127 = arith.constant 0 : i32
        %dma_start3A_128 = arith.constant 0 : i32
        %dma_start3A_129 = tpu.memref_slice %arg2[%dma_start3A_127, %dma_start3A_128] : memref<10000x128xf32, #tpu.memory_space<hbm>> -> memref<10000x128xf32, #tpu.memory_space<hbm>>
        tpu.enqueue_indirect_dma source(%dma_start3A_129 : memref<10000x128xf32, #tpu.memory_space<hbm>>) target(%dma_start3A_123 : memref<125x128xf32, #tpu.memory_space<vmem>>) offsets(%dma_start3A_126 : memref<125xi32, #tpu.memory_space<vmem>>) semaphore(%arg11 : memref<!tpu.dma_semaphore, #tpu.memory_space<semaphore_mem>>)
      } else {
      }
      %add3A_101 = arith.constant 1 : i32
      %add3A_102 = arith.addi %mul3A_70, %add3A_101 : i32
      %dma_wait3A_103 = arith.constant 1 : i32
      %dma_wait3A_104 = arith.constant 0 : i32
      %dma_wait3A_105 = arith.constant 0 : i32
      %dma_wait3A_106 = tpu.memref_slice %arg9[%dma_wait3A_103, %dma_wait3A_104, %dma_wait3A_105] : memref<2x125x128xf32, #tpu.memory_space<vmem>> -> memref<1x125x128xf32, #tpu.memory_space<vmem>>
      %dma_wait3A_107 = tpu.memref_squeeze %dma_wait3A_106 : memref<1x125x128xf32, #tpu.memory_space<vmem>> -> memref<125x128xf32, #tpu.memory_space<vmem>>
      %dma_wait3A_108 = arith.constant 0 : i32
      %dma_wait3A_109 = tpu.memref_slice %arg7[%add3A_102, %dma_wait3A_108] : memref<40x125xi32, #tpu.memory_space<vmem>> -> memref<1x125xi32, #tpu.memory_space<vmem>>
      %dma_wait3A_110 = tpu.memref_squeeze %dma_wait3A_109 : memref<1x125xi32, #tpu.memory_space<vmem>> -> memref<125xi32, #tpu.memory_space<vmem>>
      %dma_wait3A_111 = arith.constant 0 : i32
      %dma_wait3A_112 = arith.constant 0 : i32
      %dma_wait3A_113 = tpu.memref_slice %arg2[%dma_wait3A_111, %dma_wait3A_112] : memref<10000x128xf32, #tpu.memory_space<hbm>> -> memref<10000x128xf32, #tpu.memory_space<hbm>>
      tpu.wait_indirect_dma semaphore(%arg12 : memref<!tpu.dma_semaphore, #tpu.memory_space<semaphore_mem>>) src(%dma_wait3A_113 : memref<10000x128xf32, #tpu.memory_space<hbm>>) dst(%dma_wait3A_107 : memref<125x128xf32, #tpu.memory_space<vmem>>)
      %add3A_114 = arith.constant 1 : i32
      %add3A_115 = arith.addi %mul3A_70, %add3A_114 : i32
      %run_scoped3A_116 = arith.constant 1 : i32
      "tpu.region"() ({
        %run_scoped3A_117 = tpu.sem_alloc : memref<!tpu.dma_semaphore, #tpu.memory_space<semaphore_mem>>
        %dma_start3A_118 = arith.constant 0 : i32
        %dma_start3A_119 = arith.constant 0 : i32
        %dma_start3A_120 = tpu.memref_slice %arg9[%run_scoped3A_116, %dma_start3A_118, %dma_start3A_119] : memref<2x125x128xf32, #tpu.memory_space<vmem>> -> memref<1x125x128xf32, #tpu.memory_space<vmem>>
        %dma_start3A_121 = tpu.memref_squeeze %dma_start3A_120 : memref<1x125x128xf32, #tpu.memory_space<vmem>> -> memref<125x128xf32, #tpu.memory_space<vmem>>
        %dma_start3A_122 = arith.constant 0 : i32
        %dma_start3A_123 = tpu.memref_slice %arg8[%add3A_115, %dma_start3A_122] : memref<40x125xi32, #tpu.memory_space<vmem>> -> memref<1x125xi32, #tpu.memory_space<vmem>>
        %dma_start3A_124 = tpu.memref_squeeze %dma_start3A_123 : memref<1x125xi32, #tpu.memory_space<vmem>> -> memref<125xi32, #tpu.memory_space<vmem>>
        %dma_start3A_125 = arith.constant 0 : i32
        %dma_start3A_126 = arith.constant 0 : i32
        %dma_start3A_127 = tpu.memref_slice %arg10[%dma_start3A_125, %dma_start3A_126] : memref<10000x128xf32, #tpu.memory_space<vmem_shared>> -> memref<10000x128xf32, #tpu.memory_space<vmem_shared>>
        tpu.enqueue_indirect_dma source(%dma_start3A_121 : memref<125x128xf32, #tpu.memory_space<vmem>>) target(%dma_start3A_127 : memref<10000x128xf32, #tpu.memory_space<vmem_shared>>) offsets(%dma_start3A_124 : memref<125xi32, #tpu.memory_space<vmem>>) semaphore(%run_scoped3A_117 : memref<!tpu.dma_semaphore, #tpu.memory_space<semaphore_mem>>) {add = true}
        %dma_wait3A_128 = arith.constant 0 : i32
        %dma_wait3A_129 = arith.constant 0 : i32
        %dma_wait3A_130 = tpu.memref_slice %arg9[%run_scoped3A_116, %dma_wait3A_128, %dma_wait3A_129] : memref<2x125x128xf32, #tpu.memory_space<vmem>> -> memref<1x125x128xf32, #tpu.memory_space<vmem>>
        %dma_wait3A_131 = tpu.memref_squeeze %dma_wait3A_130 : memref<1x125x128xf32, #tpu.memory_space<vmem>> -> memref<125x128xf32, #tpu.memory_space<vmem>>
        %dma_wait3A_132 = arith.constant 0 : i32
        %dma_wait3A_133 = tpu.memref_slice %arg8[%add3A_115, %dma_wait3A_132] : memref<40x125xi32, #tpu.memory_space<vmem>> -> memref<1x125xi32, #tpu.memory_space<vmem>>
        %dma_wait3A_134 = tpu.memref_squeeze %dma_wait3A_133 : memref<1x125xi32, #tpu.memory_space<vmem>> -> memref<125xi32, #tpu.memory_space<vmem>>
        %dma_wait3A_135 = arith.constant 0 : i32
        %dma_wait3A_136 = arith.constant 0 : i32
        %dma_wait3A_137 = tpu.memref_slice %arg10[%dma_wait3A_135, %dma_wait3A_136] : memref<10000x128xf32, #tpu.memory_space<vmem_shared>> -> memref<10000x128xf32, #tpu.memory_space<vmem_shared>>
        tpu.wait_indirect_dma semaphore(%run_scoped3A_117 : memref<!tpu.dma_semaphore, #tpu.memory_space<semaphore_mem>>) src(%dma_wait3A_131 : memref<125x128xf32, #tpu.memory_space<vmem>>) dst(%dma_wait3A_137 : memref<10000x128xf32, #tpu.memory_space<vmem_shared>>)
        tpu.yield
      }) : () -> ()
    }
    %scan3A_35 = arith.constant 20 : i32
    %mul3A_36 = arith.constant 80 : i32
    %mul3A_37 = arith.muli %add3A, %mul3A_36 : i32
    %add3A_38 = arith.constant 40 : i32
    %add3A_39 = arith.addi %mul3A_37, %add3A_38 : i32
    "tpu.region"() ({
      %run_scoped3A = tpu.sem_alloc : memref<!tpu.dma_semaphore, #tpu.memory_space<semaphore_mem>>
      %dma_start3A_68 = arith.constant 0 : i32
      %dma_start3A_69 = tpu.memref_slice %arg3[%add3A_39, %dma_start3A_68] : memref<2560x125xi32, #tpu.memory_space<hbm>> -> memref<40x125xi32, #tpu.memory_space<hbm>>
      %dma_start3A_70 = arith.constant 0 : i32
      %dma_start3A_71 = tpu.memref_slice %arg3[%add3A_39, %dma_start3A_70] : memref<2560x125xi32, #tpu.memory_space<hbm>> -> memref<40x125xi32, #tpu.memory_space<hbm>>
      tpu.enqueue_dma source(%dma_start3A_71 : memref<40x125xi32, #tpu.memory_space<hbm>>) target(%arg7 : memref<40x125xi32, #tpu.memory_space<vmem>>) target_semaphore(%run_scoped3A : memref<!tpu.dma_semaphore, #tpu.memory_space<semaphore_mem>>)
      %dma_wait3A_72 = arith.constant 0 : i32
      %dma_wait3A_73 = tpu.memref_slice %arg3[%add3A_39, %dma_wait3A_72] : memref<2560x125xi32, #tpu.memory_space<hbm>> -> memref<40x125xi32, #tpu.memory_space<hbm>>
      %dma_wait3A_74 = arith.constant 0 : i32
      %dma_wait3A_75 = tpu.memref_slice %arg3[%add3A_39, %dma_wait3A_74] : memref<2560x125xi32, #tpu.memory_space<hbm>> -> memref<40x125xi32, #tpu.memory_space<hbm>>
      tpu.wait_dma2 semaphore(%run_scoped3A : memref<!tpu.dma_semaphore, #tpu.memory_space<semaphore_mem>>) src(%dma_wait3A_75 : memref<40x125xi32, #tpu.memory_space<hbm>>) dst(%arg7 : memref<40x125xi32, #tpu.memory_space<vmem>>)
      tpu.yield
    }) : () -> ()
    "tpu.region"() ({
      %run_scoped3A = tpu.sem_alloc : memref<!tpu.dma_semaphore, #tpu.memory_space<semaphore_mem>>
      %dma_start3A_68 = arith.constant 0 : i32
      %dma_start3A_69 = tpu.memref_slice %arg4[%add3A_39, %dma_start3A_68] : memref<2560x125xi32, #tpu.memory_space<hbm>> -> memref<40x125xi32, #tpu.memory_space<hbm>>
      %dma_start3A_70 = arith.constant 0 : i32
      %dma_start3A_71 = tpu.memref_slice %arg4[%add3A_39, %dma_start3A_70] : memref<2560x125xi32, #tpu.memory_space<hbm>> -> memref<40x125xi32, #tpu.memory_space<hbm>>
      tpu.enqueue_dma source(%dma_start3A_71 : memref<40x125xi32, #tpu.memory_space<hbm>>) target(%arg8 : memref<40x125xi32, #tpu.memory_space<vmem>>) target_semaphore(%run_scoped3A : memref<!tpu.dma_semaphore, #tpu.memory_space<semaphore_mem>>)
      %dma_wait3A_72 = arith.constant 0 : i32
      %dma_wait3A_73 = tpu.memref_slice %arg4[%add3A_39, %dma_wait3A_72] : memref<2560x125xi32, #tpu.memory_space<hbm>> -> memref<40x125xi32, #tpu.memory_space<hbm>>
      %dma_wait3A_74 = arith.constant 0 : i32
      %dma_wait3A_75 = tpu.memref_slice %arg4[%add3A_39, %dma_wait3A_74] : memref<2560x125xi32, #tpu.memory_space<hbm>> -> memref<40x125xi32, #tpu.memory_space<hbm>>
      tpu.wait_dma2 semaphore(%run_scoped3A : memref<!tpu.dma_semaphore, #tpu.memory_space<semaphore_mem>>) src(%dma_wait3A_75 : memref<40x125xi32, #tpu.memory_space<hbm>>) dst(%arg8 : memref<40x125xi32, #tpu.memory_space<vmem>>)
      tpu.yield
    }) : () -> ()
    %dma_start3A_40 = arith.constant 0 : i32
    %dma_start3A_41 = arith.constant 0 : i32
    %dma_start3A_42 = arith.constant 0 : i32
    %dma_start3A_43 = arith.constant 0 : i32
    %dma_start3A_44 = tpu.memref_slice %arg9[%dma_start3A_41, %dma_start3A_42, %dma_start3A_43] : memref<2x125x128xf32, #tpu.memory_space<vmem>> -> memref<1x125x128xf32, #tpu.memory_space<vmem>>
    %dma_start3A_45 = tpu.memref_squeeze %dma_start3A_44 : memref<1x125x128xf32, #tpu.memory_space<vmem>> -> memref<125x128xf32, #tpu.memory_space<vmem>>
    %dma_start3A_46 = arith.constant 0 : i32
    %dma_start3A_47 = tpu.memref_slice %arg7[%dma_start3A_40, %dma_start3A_46] : memref<40x125xi32, #tpu.memory_space<vmem>> -> memref<1x125xi32, #tpu.memory_space<vmem>>
    %dma_start3A_48 = tpu.memref_squeeze %dma_start3A_47 : memref<1x125xi32, #tpu.memory_space<vmem>> -> memref<125xi32, #tpu.memory_space<vmem>>
    %dma_start3A_49 = arith.constant 0 : i32
    %dma_start3A_50 = arith.constant 0 : i32
    %dma_start3A_51 = tpu.memref_slice %arg2[%dma_start3A_49, %dma_start3A_50] : memref<10000x128xf32, #tpu.memory_space<hbm>> -> memref<10000x128xf32, #tpu.memory_space<hbm>>
    tpu.enqueue_indirect_dma source(%dma_start3A_51 : memref<10000x128xf32, #tpu.memory_space<hbm>>) target(%dma_start3A_45 : memref<125x128xf32, #tpu.memory_space<vmem>>) offsets(%dma_start3A_48 : memref<125xi32, #tpu.memory_space<vmem>>) semaphore(%arg11 : memref<!tpu.dma_semaphore, #tpu.memory_space<semaphore_mem>>)
    %scan3A_52 = arith.constant 0 : i32
    %scan3A_53 = arith.constant 0 : i32
    %scan3A_54 = arith.constant 20 : i32
    %scan3A_55 = arith.addi %scan3A_53, %scan3A_54 : i32
    %scan3A_56 = arith.constant 1 : i32
    scf.for %scan3A_68 = %scan3A_53 to %scan3A_55 step %scan3A_56  : i32 {
      %mul3A_69 = arith.constant 2 : i32
      %mul3A_70 = arith.muli %mul3A_69, %scan3A_68 : i32
      %add3A_71 = arith.constant 1 : i32
      %add3A_72 = arith.addi %mul3A_70, %add3A_71 : i32
      %dma_start3A_73 = arith.constant 1 : i32
      %dma_start3A_74 = arith.constant 0 : i32
      %dma_start3A_75 = arith.constant 0 : i32
      %dma_start3A_76 = tpu.memref_slice %arg9[%dma_start3A_73, %dma_start3A_74, %dma_start3A_75] : memref<2x125x128xf32, #tpu.memory_space<vmem>> -> memref<1x125x128xf32, #tpu.memory_space<vmem>>
      %dma_start3A_77 = tpu.memref_squeeze %dma_start3A_76 : memref<1x125x128xf32, #tpu.memory_space<vmem>> -> memref<125x128xf32, #tpu.memory_space<vmem>>
      %dma_start3A_78 = arith.constant 0 : i32
      %dma_start3A_79 = tpu.memref_slice %arg7[%add3A_72, %dma_start3A_78] : memref<40x125xi32, #tpu.memory_space<vmem>> -> memref<1x125xi32, #tpu.memory_space<vmem>>
      %dma_start3A_80 = tpu.memref_squeeze %dma_start3A_79 : memref<1x125xi32, #tpu.memory_space<vmem>> -> memref<125xi32, #tpu.memory_space<vmem>>
      %dma_start3A_81 = arith.constant 0 : i32
      %dma_start3A_82 = arith.constant 0 : i32
      %dma_start3A_83 = tpu.memref_slice %arg2[%dma_start3A_81, %dma_start3A_82] : memref<10000x128xf32, #tpu.memory_space<hbm>> -> memref<10000x128xf32, #tpu.memory_space<hbm>>
      tpu.enqueue_indirect_dma source(%dma_start3A_83 : memref<10000x128xf32, #tpu.memory_space<hbm>>) target(%dma_start3A_77 : memref<125x128xf32, #tpu.memory_space<vmem>>) offsets(%dma_start3A_80 : memref<125xi32, #tpu.memory_space<vmem>>) semaphore(%arg12 : memref<!tpu.dma_semaphore, #tpu.memory_space<semaphore_mem>>)
      %dma_wait3A_84 = arith.constant 0 : i32
      %dma_wait3A_85 = arith.constant 0 : i32
      %dma_wait3A_86 = arith.constant 0 : i32
      %dma_wait3A_87 = tpu.memref_slice %arg9[%dma_wait3A_84, %dma_wait3A_85, %dma_wait3A_86] : memref<2x125x128xf32, #tpu.memory_space<vmem>> -> memref<1x125x128xf32, #tpu.memory_space<vmem>>
      %dma_wait3A_88 = tpu.memref_squeeze %dma_wait3A_87 : memref<1x125x128xf32, #tpu.memory_space<vmem>> -> memref<125x128xf32, #tpu.memory_space<vmem>>
      %dma_wait3A_89 = arith.constant 0 : i32
      %dma_wait3A_90 = tpu.memref_slice %arg7[%mul3A_70, %dma_wait3A_89] : memref<40x125xi32, #tpu.memory_space<vmem>> -> memref<1x125xi32, #tpu.memory_space<vmem>>
      %dma_wait3A_91 = tpu.memref_squeeze %dma_wait3A_90 : memref<1x125xi32, #tpu.memory_space<vmem>> -> memref<125xi32, #tpu.memory_space<vmem>>
      %dma_wait3A_92 = arith.constant 0 : i32
      %dma_wait3A_93 = arith.constant 0 : i32
      %dma_wait3A_94 = tpu.memref_slice %arg2[%dma_wait3A_92, %dma_wait3A_93] : memref<10000x128xf32, #tpu.memory_space<hbm>> -> memref<10000x128xf32, #tpu.memory_space<hbm>>
      tpu.wait_indirect_dma semaphore(%arg11 : memref<!tpu.dma_semaphore, #tpu.memory_space<semaphore_mem>>) src(%dma_wait3A_94 : memref<10000x128xf32, #tpu.memory_space<hbm>>) dst(%dma_wait3A_88 : memref<125x128xf32, #tpu.memory_space<vmem>>)
      %run_scoped3A = arith.constant 0 : i32
      "tpu.region"() ({
        %run_scoped3A_117 = tpu.sem_alloc : memref<!tpu.dma_semaphore, #tpu.memory_space<semaphore_mem>>
        %dma_start3A_118 = arith.constant 0 : i32
        %dma_start3A_119 = arith.constant 0 : i32
        %dma_start3A_120 = tpu.memref_slice %arg9[%run_scoped3A, %dma_start3A_118, %dma_start3A_119] : memref<2x125x128xf32, #tpu.memory_space<vmem>> -> memref<1x125x128xf32, #tpu.memory_space<vmem>>
        %dma_start3A_121 = tpu.memref_squeeze %dma_start3A_120 : memref<1x125x128xf32, #tpu.memory_space<vmem>> -> memref<125x128xf32, #tpu.memory_space<vmem>>
        %dma_start3A_122 = arith.constant 0 : i32
        %dma_start3A_123 = tpu.memref_slice %arg8[%mul3A_70, %dma_start3A_122] : memref<40x125xi32, #tpu.memory_space<vmem>> -> memref<1x125xi32, #tpu.memory_space<vmem>>
        %dma_start3A_124 = tpu.memref_squeeze %dma_start3A_123 : memref<1x125xi32, #tpu.memory_space<vmem>> -> memref<125xi32, #tpu.memory_space<vmem>>
        %dma_start3A_125 = arith.constant 0 : i32
        %dma_start3A_126 = arith.constant 0 : i32
        %dma_start3A_127 = tpu.memref_slice %arg10[%dma_start3A_125, %dma_start3A_126] : memref<10000x128xf32, #tpu.memory_space<vmem_shared>> -> memref<10000x128xf32, #tpu.memory_space<vmem_shared>>
        tpu.enqueue_indirect_dma source(%dma_start3A_121 : memref<125x128xf32, #tpu.memory_space<vmem>>) target(%dma_start3A_127 : memref<10000x128xf32, #tpu.memory_space<vmem_shared>>) offsets(%dma_start3A_124 : memref<125xi32, #tpu.memory_space<vmem>>) semaphore(%run_scoped3A_117 : memref<!tpu.dma_semaphore, #tpu.memory_space<semaphore_mem>>) {add = true}
        %dma_wait3A_128 = arith.constant 0 : i32
        %dma_wait3A_129 = arith.constant 0 : i32
        %dma_wait3A_130 = tpu.memref_slice %arg9[%run_scoped3A, %dma_wait3A_128, %dma_wait3A_129] : memref<2x125x128xf32, #tpu.memory_space<vmem>> -> memref<1x125x128xf32, #tpu.memory_space<vmem>>
        %dma_wait3A_131 = tpu.memref_squeeze %dma_wait3A_130 : memref<1x125x128xf32, #tpu.memory_space<vmem>> -> memref<125x128xf32, #tpu.memory_space<vmem>>
        %dma_wait3A_132 = arith.constant 0 : i32
        %dma_wait3A_133 = tpu.memref_slice %arg8[%mul3A_70, %dma_wait3A_132] : memref<40x125xi32, #tpu.memory_space<vmem>> -> memref<1x125xi32, #tpu.memory_space<vmem>>
        %dma_wait3A_134 = tpu.memref_squeeze %dma_wait3A_133 : memref<1x125xi32, #tpu.memory_space<vmem>> -> memref<125xi32, #tpu.memory_space<vmem>>
        %dma_wait3A_135 = arith.constant 0 : i32
        %dma_wait3A_136 = arith.constant 0 : i32
        %dma_wait3A_137 = tpu.memref_slice %arg10[%dma_wait3A_135, %dma_wait3A_136] : memref<10000x128xf32, #tpu.memory_space<vmem_shared>> -> memref<10000x128xf32, #tpu.memory_space<vmem_shared>>
        tpu.wait_indirect_dma semaphore(%run_scoped3A_117 : memref<!tpu.dma_semaphore, #tpu.memory_space<semaphore_mem>>) src(%dma_wait3A_131 : memref<125x128xf32, #tpu.memory_space<vmem>>) dst(%dma_wait3A_137 : memref<10000x128xf32, #tpu.memory_space<vmem_shared>>)
        tpu.yield
      }) : () -> ()
      %add3A_95 = arith.constant 1 : i32
      %add3A_96 = arith.addi %scan3A_68, %add3A_95 : i32
      %lt3A = arith.constant 20 : i32
      %lt3A_97 = arith.cmpi slt, %add3A_96, %lt3A : i32
      %convert_element_type3A_98 = arith.extui %lt3A_97 : i1 to i32
      %cond3A_99 = arith.constant 0 : i32
      %cond3A_100 = arith.cmpi ne, %convert_element_type3A_98, %cond3A_99 : i32
      scf.if %cond3A_100 {
        %add3A_117 = arith.constant 2 : i32
        %add3A_118 = arith.addi %mul3A_70, %add3A_117 : i32
        %dma_start3A_119 = arith.constant 0 : i32
        %dma_start3A_120 = arith.constant 0 : i32
        %dma_start3A_121 = arith.constant 0 : i32
        %dma_start3A_122 = tpu.memref_slice %arg9[%dma_start3A_119, %dma_start3A_120, %dma_start3A_121] : memref<2x125x128xf32, #tpu.memory_space<vmem>> -> memref<1x125x128xf32, #tpu.memory_space<vmem>>
        %dma_start3A_123 = tpu.memref_squeeze %dma_start3A_122 : memref<1x125x128xf32, #tpu.memory_space<vmem>> -> memref<125x128xf32, #tpu.memory_space<vmem>>
        %dma_start3A_124 = arith.constant 0 : i32
        %dma_start3A_125 = tpu.memref_slice %arg7[%add3A_118, %dma_start3A_124] : memref<40x125xi32, #tpu.memory_space<vmem>> -> memref<1x125xi32, #tpu.memory_space<vmem>>
        %dma_start3A_126 = tpu.memref_squeeze %dma_start3A_125 : memref<1x125xi32, #tpu.memory_space<vmem>> -> memref<125xi32, #tpu.memory_space<vmem>>
        %dma_start3A_127 = arith.constant 0 : i32
        %dma_start3A_128 = arith.constant 0 : i32
        %dma_start3A_129 = tpu.memref_slice %arg2[%dma_start3A_127, %dma_start3A_128] : memref<10000x128xf32, #tpu.memory_space<hbm>> -> memref<10000x128xf32, #tpu.memory_space<hbm>>
        tpu.enqueue_indirect_dma source(%dma_start3A_129 : memref<10000x128xf32, #tpu.memory_space<hbm>>) target(%dma_start3A_123 : memref<125x128xf32, #tpu.memory_space<vmem>>) offsets(%dma_start3A_126 : memref<125xi32, #tpu.memory_space<vmem>>) semaphore(%arg11 : memref<!tpu.dma_semaphore, #tpu.memory_space<semaphore_mem>>)
      } else {
      }
      %add3A_101 = arith.constant 1 : i32
      %add3A_102 = arith.addi %mul3A_70, %add3A_101 : i32
      %dma_wait3A_103 = arith.constant 1 : i32
      %dma_wait3A_104 = arith.constant 0 : i32
      %dma_wait3A_105 = arith.constant 0 : i32
      %dma_wait3A_106 = tpu.memref_slice %arg9[%dma_wait3A_103, %dma_wait3A_104, %dma_wait3A_105] : memref<2x125x128xf32, #tpu.memory_space<vmem>> -> memref<1x125x128xf32, #tpu.memory_space<vmem>>
      %dma_wait3A_107 = tpu.memref_squeeze %dma_wait3A_106 : memref<1x125x128xf32, #tpu.memory_space<vmem>> -> memref<125x128xf32, #tpu.memory_space<vmem>>
      %dma_wait3A_108 = arith.constant 0 : i32
      %dma_wait3A_109 = tpu.memref_slice %arg7[%add3A_102, %dma_wait3A_108] : memref<40x125xi32, #tpu.memory_space<vmem>> -> memref<1x125xi32, #tpu.memory_space<vmem>>
      %dma_wait3A_110 = tpu.memref_squeeze %dma_wait3A_109 : memref<1x125xi32, #tpu.memory_space<vmem>> -> memref<125xi32, #tpu.memory_space<vmem>>
      %dma_wait3A_111 = arith.constant 0 : i32
      %dma_wait3A_112 = arith.constant 0 : i32
      %dma_wait3A_113 = tpu.memref_slice %arg2[%dma_wait3A_111, %dma_wait3A_112] : memref<10000x128xf32, #tpu.memory_space<hbm>> -> memref<10000x128xf32, #tpu.memory_space<hbm>>
      tpu.wait_indirect_dma semaphore(%arg12 : memref<!tpu.dma_semaphore, #tpu.memory_space<semaphore_mem>>) src(%dma_wait3A_113 : memref<10000x128xf32, #tpu.memory_space<hbm>>) dst(%dma_wait3A_107 : memref<125x128xf32, #tpu.memory_space<vmem>>)
      %add3A_114 = arith.constant 1 : i32
      %add3A_115 = arith.addi %mul3A_70, %add3A_114 : i32
      %run_scoped3A_116 = arith.constant 1 : i32
      "tpu.region"() ({
        %run_scoped3A_117 = tpu.sem_alloc : memref<!tpu.dma_semaphore, #tpu.memory_space<semaphore_mem>>
        %dma_start3A_118 = arith.constant 0 : i32
        %dma_start3A_119 = arith.constant 0 : i32
        %dma_start3A_120 = tpu.memref_slice %arg9[%run_scoped3A_116, %dma_start3A_118, %dma_start3A_119] : memref<2x125x128xf32, #tpu.memory_space<vmem>> -> memref<1x125x128xf32, #tpu.memory_space<vmem>>
        %dma_start3A_121 = tpu.memref_squeeze %dma_start3A_120 : memref<1x125x128xf32, #tpu.memory_space<vmem>> -> memref<125x128xf32, #tpu.memory_space<vmem>>
        %dma_start3A_122 = arith.constant 0 : i32
        %dma_start3A_123 = tpu.memref_slice %arg8[%add3A_115, %dma_start3A_122] : memref<40x125xi32, #tpu.memory_space<vmem>> -> memref<1x125xi32, #tpu.memory_space<vmem>>
        %dma_start3A_124 = tpu.memref_squeeze %dma_start3A_123 : memref<1x125xi32, #tpu.memory_space<vmem>> -> memref<125xi32, #tpu.memory_space<vmem>>
        %dma_start3A_125 = arith.constant 0 : i32
        %dma_start3A_126 = arith.constant 0 : i32
        %dma_start3A_127 = tpu.memref_slice %arg10[%dma_start3A_125, %dma_start3A_126] : memref<10000x128xf32, #tpu.memory_space<vmem_shared>> -> memref<10000x128xf32, #tpu.memory_space<vmem_shared>>
        tpu.enqueue_indirect_dma source(%dma_start3A_121 : memref<125x128xf32, #tpu.memory_space<vmem>>) target(%dma_start3A_127 : memref<10000x128xf32, #tpu.memory_space<vmem_shared>>) offsets(%dma_start3A_124 : memref<125xi32, #tpu.memory_space<vmem>>) semaphore(%run_scoped3A_117 : memref<!tpu.dma_semaphore, #tpu.memory_space<semaphore_mem>>) {add = true}
        %dma_wait3A_128 = arith.constant 0 : i32
        %dma_wait3A_129 = arith.constant 0 : i32
        %dma_wait3A_130 = tpu.memref_slice %arg9[%run_scoped3A_116, %dma_wait3A_128, %dma_wait3A_129] : memref<2x125x128xf32, #tpu.memory_space<vmem>> -> memref<1x125x128xf32, #tpu.memory_space<vmem>>
        %dma_wait3A_131 = tpu.memref_squeeze %dma_wait3A_130 : memref<1x125x128xf32, #tpu.memory_space<vmem>> -> memref<125x128xf32, #tpu.memory_space<vmem>>
        %dma_wait3A_132 = arith.constant 0 : i32
        %dma_wait3A_133 = tpu.memref_slice %arg8[%add3A_115, %dma_wait3A_132] : memref<40x125xi32, #tpu.memory_space<vmem>> -> memref<1x125xi32, #tpu.memory_space<vmem>>
        %dma_wait3A_134 = tpu.memref_squeeze %dma_wait3A_133 : memref<1x125xi32, #tpu.memory_space<vmem>> -> memref<125xi32, #tpu.memory_space<vmem>>
        %dma_wait3A_135 = arith.constant 0 : i32
        %dma_wait3A_136 = arith.constant 0 : i32
        %dma_wait3A_137 = tpu.memref_slice %arg10[%dma_wait3A_135, %dma_wait3A_136] : memref<10000x128xf32, #tpu.memory_space<vmem_shared>> -> memref<10000x128xf32, #tpu.memory_space<vmem_shared>>
        tpu.wait_indirect_dma semaphore(%run_scoped3A_117 : memref<!tpu.dma_semaphore, #tpu.memory_space<semaphore_mem>>) src(%dma_wait3A_131 : memref<125x128xf32, #tpu.memory_space<vmem>>) dst(%dma_wait3A_137 : memref<10000x128xf32, #tpu.memory_space<vmem_shared>>)
        tpu.yield
      }) : () -> ()
    }
    %scan3A_57 = arith.constant 20 : i32
    %barrier3A_58 = arith.constant 0 : index
    tpu.barrier barrier_id(%barrier3A_58)
    %mul3A_59 = arith.constant 624 : i32
    %mul3A_60 = arith.muli %arg1, %mul3A_59 : i32
    %mul3A_61 = arith.constant 624 : i32
    %mul3A_62 = arith.muli %arg1, %mul3A_61 : i32
    "tpu.region"() ({
      %run_scoped3A = tpu.sem_alloc : memref<!tpu.dma_semaphore, #tpu.memory_space<semaphore_mem>>
      %dma_start3A_68 = arith.constant 0 : i32
      %dma_start3A_69 = tpu.memref_slice %arg6[%arg0, %mul3A_62, %dma_start3A_68] : memref<2x10000x128xf32, #tpu.memory_space<hbm>> -> memref<1x624x128xf32, #tpu.memory_space<hbm>>
      %dma_start3A_70 = tpu.memref_squeeze %dma_start3A_69 : memref<1x624x128xf32, #tpu.memory_space<hbm>> -> memref<624x128xf32, #tpu.memory_space<hbm>>
      %dma_start3A_71 = arith.constant 0 : i32
      %dma_start3A_72 = tpu.memref_slice %arg10[%mul3A_60, %dma_start3A_71] : memref<10000x128xf32, #tpu.memory_space<vmem_shared>> -> memref<624x128xf32, #tpu.memory_space<vmem_shared>>
      tpu.enqueue_dma source(%dma_start3A_72 : memref<624x128xf32, #tpu.memory_space<vmem_shared>>) target(%dma_start3A_70 : memref<624x128xf32, #tpu.memory_space<hbm>>) target_semaphore(%run_scoped3A : memref<!tpu.dma_semaphore, #tpu.memory_space<semaphore_mem>>)
      %dma_wait3A_73 = arith.constant 0 : i32
      %dma_wait3A_74 = tpu.memref_slice %arg6[%arg0, %mul3A_62, %dma_wait3A_73] : memref<2x10000x128xf32, #tpu.memory_space<hbm>> -> memref<1x624x128xf32, #tpu.memory_space<hbm>>
      %dma_wait3A_75 = tpu.memref_squeeze %dma_wait3A_74 : memref<1x624x128xf32, #tpu.memory_space<hbm>> -> memref<624x128xf32, #tpu.memory_space<hbm>>
      %dma_wait3A_76 = arith.constant 0 : i32
      %dma_wait3A_77 = tpu.memref_slice %arg10[%mul3A_60, %dma_wait3A_76] : memref<10000x128xf32, #tpu.memory_space<vmem_shared>> -> memref<624x128xf32, #tpu.memory_space<vmem_shared>>
      tpu.wait_dma2 semaphore(%run_scoped3A : memref<!tpu.dma_semaphore, #tpu.memory_space<semaphore_mem>>) src(%dma_wait3A_77 : memref<624x128xf32, #tpu.memory_space<vmem_shared>>) dst(%dma_wait3A_75 : memref<624x128xf32, #tpu.memory_space<hbm>>)
      tpu.yield
    }) : () -> ()
    %eq3A_63 = arith.constant 15 : i32
    %eq3A_64 = arith.cmpi eq, %arg1, %eq3A_63 : i32
    %convert_element_type3A_65 = arith.extui %eq3A_64 : i1 to i32
    %cond3A_66 = arith.constant 0 : i32
    %cond3A_67 = arith.cmpi ne, %convert_element_type3A_65, %cond3A_66 : i32
    scf.if %cond3A_67 {
      "tpu.region"() ({
        %run_scoped3A = tpu.sem_alloc : memref<!tpu.dma_semaphore, #tpu.memory_space<semaphore_mem>>
        %dma_start3A_68 = arith.constant 9984 : i32
        %dma_start3A_69 = arith.constant 0 : i32
        %dma_start3A_70 = tpu.memref_slice %arg6[%arg0, %dma_start3A_68, %dma_start3A_69] : memref<2x10000x128xf32, #tpu.memory_space<hbm>> -> memref<1x16x128xf32, #tpu.memory_space<hbm>>
        %dma_start3A_71 = tpu.memref_squeeze %dma_start3A_70 : memref<1x16x128xf32, #tpu.memory_space<hbm>> -> memref<16x128xf32, #tpu.memory_space<hbm>>
        %dma_start3A_72 = arith.constant 9984 : i32
        %dma_start3A_73 = arith.constant 0 : i32
        %dma_start3A_74 = tpu.memref_slice %arg10[%dma_start3A_72, %dma_start3A_73] : memref<10000x128xf32, #tpu.memory_space<vmem_shared>> -> memref<16x128xf32, #tpu.memory_space<vmem_shared>>
        tpu.enqueue_dma source(%dma_start3A_74 : memref<16x128xf32, #tpu.memory_space<vmem_shared>>) target(%dma_start3A_71 : memref<16x128xf32, #tpu.memory_space<hbm>>) target_semaphore(%run_scoped3A : memref<!tpu.dma_semaphore, #tpu.memory_space<semaphore_mem>>)
        %dma_wait3A_75 = arith.constant 9984 : i32
        %dma_wait3A_76 = arith.constant 0 : i32
        %dma_wait3A_77 = tpu.memref_slice %arg6[%arg0, %dma_wait3A_75, %dma_wait3A_76] : memref<2x10000x128xf32, #tpu.memory_space<hbm>> -> memref<1x16x128xf32, #tpu.memory_space<hbm>>
        %dma_wait3A_78 = tpu.memref_squeeze %dma_wait3A_77 : memref<1x16x128xf32, #tpu.memory_space<hbm>> -> memref<16x128xf32, #tpu.memory_space<hbm>>
        %dma_wait3A_79 = arith.constant 9984 : i32
        %dma_wait3A_80 = arith.constant 0 : i32
        %dma_wait3A_81 = tpu.memref_slice %arg10[%dma_wait3A_79, %dma_wait3A_80] : memref<10000x128xf32, #tpu.memory_space<vmem_shared>> -> memref<16x128xf32, #tpu.memory_space<vmem_shared>>
        tpu.wait_dma2 semaphore(%run_scoped3A : memref<!tpu.dma_semaphore, #tpu.memory_space<semaphore_mem>>) src(%dma_wait3A_81 : memref<16x128xf32, #tpu.memory_space<vmem_shared>>) dst(%dma_wait3A_78 : memref<16x128xf32, #tpu.memory_space<hbm>>)
        tpu.yield
      }) : () -> ()
    } else {
    }
    return
  }
}

#map = affine_map<(d0, d1) -> (0, 0)>
#map1 = affine_map<(d0, d1) -> (0, 0, 0)>
module attributes {stable_mosaic.version = 14 : i64} {
  func.func @agg_kernel(%arg0: i32, %arg1: i32, %arg2: memref<10000x128xf32, #tpu.memory_space<hbm>>, %arg3: memref<2560x125xi32, #tpu.memory_space<hbm>>, %arg4: memref<2560x125xi32, #tpu.memory_space<hbm>>, %arg5: memref<624x128xf32, #tpu.memory_space<hbm>>, %arg6: memref<2x10000x128xf32, #tpu.memory_space<hbm>>, %arg7: memref<40x125xi32, #tpu.memory_space<vmem>>, %arg8: memref<40x125xi32, #tpu.memory_space<vmem>>, %arg9: memref<2x125x128xf32, #tpu.memory_space<vmem>>, %arg10: memref<10000x128xf32, #tpu.memory_space<vmem_shared>>, %arg11: memref<!tpu.dma_semaphore, #tpu.memory_space<semaphore_mem>>, %arg12: memref<!tpu.dma_semaphore, #tpu.memory_space<semaphore_mem>>, %arg13: memref<!tpu.dma_semaphore, #tpu.memory_space<semaphore_mem>>) attributes {dimension_semantics = [#tpu.dimension_semantics<core_parallel>, #tpu.dimension_semantics<subcore_parallel>], iteration_bounds = array<i64: 2, 16>, scalar_prefetch = 0 : i64, scratch_operands = 7 : i64, tpu.core_type = #tpu.core_type<sc_vector_subcore>, window_params = [{transform_indices = #map}, {transform_indices = #map}, {transform_indices = #map}, {transform_indices = #map}, {transform_indices = #map1}]} {
    %mul3A = arith.constant 16 : i32
    %mul3A_0 = arith.muli %arg0, %mul3A : i32
    %add3A = arith.addi %mul3A_0, %arg1 : i32
    %mul3A_1 = arith.constant 624 : i32
    %mul3A_2 = arith.muli %arg1, %mul3A_1 : i32
    %dma_start3A = arith.constant 0 : i32
    %dma_start3A_3 = tpu.memref_slice %arg10[%mul3A_2, %dma_start3A] : memref<10000x128xf32, #tpu.memory_space<vmem_shared>> -> memref<624x128xf32, #tpu.memory_space<vmem_shared>>
    %dma_start3A_4 = arith.constant 0 : i32
    %dma_start3A_5 = arith.constant 0 : i32
    %dma_start3A_6 = tpu.memref_slice %arg5[%dma_start3A_4, %dma_start3A_5] : memref<624x128xf32, #tpu.memory_space<hbm>> -> memref<624x128xf32, #tpu.memory_space<hbm>>
    tpu.enqueue_dma source(%dma_start3A_6 : memref<624x128xf32, #tpu.memory_space<hbm>>) target(%dma_start3A_3 : memref<624x128xf32, #tpu.memory_space<vmem_shared>>) target_semaphore(%arg13 : memref<!tpu.dma_semaphore, #tpu.memory_space<semaphore_mem>>)
    %eq3A = arith.constant 15 : i32
    %eq3A_7 = arith.cmpi eq, %arg1, %eq3A : i32
    %convert_element_type3A = arith.extui %eq3A_7 : i1 to i32
    %cond3A = arith.constant 0 : i32
    %cond3A_8 = arith.cmpi ne, %convert_element_type3A, %cond3A : i32
    scf.if %cond3A_8 {
      "tpu.region"() ({
        %run_scoped3A = tpu.sem_alloc : memref<!tpu.dma_semaphore, #tpu.memory_space<semaphore_mem>>
        %dma_start3A_68 = arith.constant 9984 : i32
        %dma_start3A_69 = arith.constant 0 : i32
        %dma_start3A_70 = tpu.memref_slice %arg10[%dma_start3A_68, %dma_start3A_69] : memref<10000x128xf32, #tpu.memory_space<vmem_shared>> -> memref<16x128xf32, #tpu.memory_space<vmem_shared>>
        %dma_start3A_71 = arith.constant 0 : i32
        %dma_start3A_72 = arith.constant 0 : i32
        %dma_start3A_73 = tpu.memref_slice %arg5[%dma_start3A_71, %dma_start3A_72] : memref<624x128xf32, #tpu.memory_space<hbm>> -> memref<16x128xf32, #tpu.memory_space<hbm>>
        tpu.enqueue_dma source(%dma_start3A_73 : memref<16x128xf32, #tpu.memory_space<hbm>>) target(%dma_start3A_70 : memref<16x128xf32, #tpu.memory_space<vmem_shared>>) target_semaphore(%run_scoped3A : memref<!tpu.dma_semaphore, #tpu.memory_space<semaphore_mem>>)
        %dma_wait3A_74 = arith.constant 9984 : i32
        %dma_wait3A_75 = arith.constant 0 : i32
        %dma_wait3A_76 = tpu.memref_slice %arg10[%dma_wait3A_74, %dma_wait3A_75] : memref<10000x128xf32, #tpu.memory_space<vmem_shared>> -> memref<16x128xf32, #tpu.memory_space<vmem_shared>>
        %dma_wait3A_77 = arith.constant 0 : i32
        %dma_wait3A_78 = arith.constant 0 : i32
        %dma_wait3A_79 = tpu.memref_slice %arg5[%dma_wait3A_77, %dma_wait3A_78] : memref<624x128xf32, #tpu.memory_space<hbm>> -> memref<16x128xf32, #tpu.memory_space<hbm>>
        tpu.wait_dma2 semaphore(%run_scoped3A : memref<!tpu.dma_semaphore, #tpu.memory_space<semaphore_mem>>) src(%dma_wait3A_79 : memref<16x128xf32, #tpu.memory_space<hbm>>) dst(%dma_wait3A_76 : memref<16x128xf32, #tpu.memory_space<vmem_shared>>)
        tpu.yield
      }) : () -> ()
    } else {
    }
    %mul3A_9 = arith.constant 80 : i32
    %mul3A_10 = arith.muli %add3A, %mul3A_9 : i32
    %add3A_11 = arith.constant 0 : i32
    %add3A_12 = arith.addi %mul3A_10, %add3A_11 : i32
    "tpu.region"() ({
      %run_scoped3A = tpu.sem_alloc : memref<!tpu.dma_semaphore, #tpu.memory_space<semaphore_mem>>
      %dma_start3A_68 = arith.constant 0 : i32
      %dma_start3A_69 = tpu.memref_slice %arg3[%add3A_12, %dma_start3A_68] : memref<2560x125xi32, #tpu.memory_space<hbm>> -> memref<40x125xi32, #tpu.memory_space<hbm>>
      %dma_start3A_70 = arith.constant 0 : i32
      %dma_start3A_71 = tpu.memref_slice %arg3[%add3A_12, %dma_start3A_70] : memref<2560x125xi32, #tpu.memory_space<hbm>> -> memref<40x125xi32, #tpu.memory_space<hbm>>
      tpu.enqueue_dma source(%dma_start3A_71 : memref<40x125xi32, #tpu.memory_space<hbm>>) target(%arg7 : memref<40x125xi32, #tpu.memory_space<vmem>>) target_semaphore(%run_scoped3A : memref<!tpu.dma_semaphore, #tpu.memory_space<semaphore_mem>>)
      %dma_wait3A_72 = arith.constant 0 : i32
      %dma_wait3A_73 = tpu.memref_slice %arg3[%add3A_12, %dma_wait3A_72] : memref<2560x125xi32, #tpu.memory_space<hbm>> -> memref<40x125xi32, #tpu.memory_space<hbm>>
      %dma_wait3A_74 = arith.constant 0 : i32
      %dma_wait3A_75 = tpu.memref_slice %arg3[%add3A_12, %dma_wait3A_74] : memref<2560x125xi32, #tpu.memory_space<hbm>> -> memref<40x125xi32, #tpu.memory_space<hbm>>
      tpu.wait_dma2 semaphore(%run_scoped3A : memref<!tpu.dma_semaphore, #tpu.memory_space<semaphore_mem>>) src(%dma_wait3A_75 : memref<40x125xi32, #tpu.memory_space<hbm>>) dst(%arg7 : memref<40x125xi32, #tpu.memory_space<vmem>>)
      tpu.yield
    }) : () -> ()
    "tpu.region"() ({
      %run_scoped3A = tpu.sem_alloc : memref<!tpu.dma_semaphore, #tpu.memory_space<semaphore_mem>>
      %dma_start3A_68 = arith.constant 0 : i32
      %dma_start3A_69 = tpu.memref_slice %arg4[%add3A_12, %dma_start3A_68] : memref<2560x125xi32, #tpu.memory_space<hbm>> -> memref<40x125xi32, #tpu.memory_space<hbm>>
      %dma_start3A_70 = arith.constant 0 : i32
      %dma_start3A_71 = tpu.memref_slice %arg4[%add3A_12, %dma_start3A_70] : memref<2560x125xi32, #tpu.memory_space<hbm>> -> memref<40x125xi32, #tpu.memory_space<hbm>>
      tpu.enqueue_dma source(%dma_start3A_71 : memref<40x125xi32, #tpu.memory_space<hbm>>) target(%arg8 : memref<40x125xi32, #tpu.memory_space<vmem>>) target_semaphore(%run_scoped3A : memref<!tpu.dma_semaphore, #tpu.memory_space<semaphore_mem>>)
      %dma_wait3A_72 = arith.constant 0 : i32
      %dma_wait3A_73 = tpu.memref_slice %arg4[%add3A_12, %dma_wait3A_72] : memref<2560x125xi32, #tpu.memory_space<hbm>> -> memref<40x125xi32, #tpu.memory_space<hbm>>
      %dma_wait3A_74 = arith.constant 0 : i32
      %dma_wait3A_75 = tpu.memref_slice %arg4[%add3A_12, %dma_wait3A_74] : memref<2560x125xi32, #tpu.memory_space<hbm>> -> memref<40x125xi32, #tpu.memory_space<hbm>>
      tpu.wait_dma2 semaphore(%run_scoped3A : memref<!tpu.dma_semaphore, #tpu.memory_space<semaphore_mem>>) src(%dma_wait3A_75 : memref<40x125xi32, #tpu.memory_space<hbm>>) dst(%arg8 : memref<40x125xi32, #tpu.memory_space<vmem>>)
      tpu.yield
    }) : () -> ()
    %mul3A_13 = arith.constant 624 : i32
    %mul3A_14 = arith.muli %arg1, %mul3A_13 : i32
    %dma_wait3A = arith.constant 0 : i32
    %dma_wait3A_15 = tpu.memref_slice %arg10[%mul3A_14, %dma_wait3A] : memref<10000x128xf32, #tpu.memory_space<vmem_shared>> -> memref<624x128xf32, #tpu.memory_space<vmem_shared>>
    %dma_wait3A_16 = arith.constant 0 : i32
    %dma_wait3A_17 = arith.constant 0 : i32
    %dma_wait3A_18 = tpu.memref_slice %arg5[%dma_wait3A_16, %dma_wait3A_17] : memref<624x128xf32, #tpu.memory_space<hbm>> -> memref<624x128xf32, #tpu.memory_space<hbm>>
    tpu.wait_dma2 semaphore(%arg13 : memref<!tpu.dma_semaphore, #tpu.memory_space<semaphore_mem>>) src(%dma_wait3A_18 : memref<624x128xf32, #tpu.memory_space<hbm>>) dst(%dma_wait3A_15 : memref<624x128xf32, #tpu.memory_space<vmem_shared>>)
    %barrier3A = arith.constant 0 : index
    tpu.barrier barrier_id(%barrier3A)
    %dma_start3A_19 = arith.constant 0 : i32
    %dma_start3A_20 = arith.constant 0 : i32
    %dma_start3A_21 = arith.constant 0 : i32
    %dma_start3A_22 = arith.constant 0 : i32
    %dma_start3A_23 = tpu.memref_slice %arg9[%dma_start3A_20, %dma_start3A_21, %dma_start3A_22] : memref<2x125x128xf32, #tpu.memory_space<vmem>> -> memref<1x125x128xf32, #tpu.memory_space<vmem>>
    %dma_start3A_24 = tpu.memref_squeeze %dma_start3A_23 : memref<1x125x128xf32, #tpu.memory_space<vmem>> -> memref<125x128xf32, #tpu.memory_space<vmem>>
    %dma_start3A_25 = arith.constant 0 : i32
    %dma_start3A_26 = tpu.memref_slice %arg7[%dma_start3A_19, %dma_start3A_25] : memref<40x125xi32, #tpu.memory_space<vmem>> -> memref<1x125xi32, #tpu.memory_space<vmem>>
    %dma_start3A_27 = tpu.memref_squeeze %dma_start3A_26 : memref<1x125xi32, #tpu.memory_space<vmem>> -> memref<125xi32, #tpu.memory_space<vmem>>
    %dma_start3A_28 = arith.constant 0 : i32
    %dma_start3A_29 = arith.constant 0 : i32
    %dma_start3A_30 = tpu.memref_slice %arg2[%dma_start3A_28, %dma_start3A_29] : memref<10000x128xf32, #tpu.memory_space<hbm>> -> memref<10000x128xf32, #tpu.memory_space<hbm>>
    tpu.enqueue_indirect_dma source(%dma_start3A_30 : memref<10000x128xf32, #tpu.memory_space<hbm>>) target(%dma_start3A_24 : memref<125x128xf32, #tpu.memory_space<vmem>>) offsets(%dma_start3A_27 : memref<125xi32, #tpu.memory_space<vmem>>) semaphore(%arg11 : memref<!tpu.dma_semaphore, #tpu.memory_space<semaphore_mem>>)
    %scan3A = arith.constant 0 : i32
    %scan3A_31 = arith.constant 0 : i32
    %scan3A_32 = arith.constant 20 : i32
    %scan3A_33 = arith.addi %scan3A_31, %scan3A_32 : i32
    %scan3A_34 = arith.constant 1 : i32
    scf.for %scan3A_68 = %scan3A_31 to %scan3A_33 step %scan3A_34  : i32 {
      %mul3A_69 = arith.constant 2 : i32
      %mul3A_70 = arith.muli %mul3A_69, %scan3A_68 : i32
      %add3A_71 = arith.constant 1 : i32
      %add3A_72 = arith.addi %mul3A_70, %add3A_71 : i32
      %dma_start3A_73 = arith.constant 1 : i32
      %dma_start3A_74 = arith.constant 0 : i32
      %dma_start3A_75 = arith.constant 0 : i32
      %dma_start3A_76 = tpu.memref_slice %arg9[%dma_start3A_73, %dma_start3A_74, %dma_start3A_75] : memref<2x125x128xf32, #tpu.memory_space<vmem>> -> memref<1x125x128xf32, #tpu.memory_space<vmem>>
      %dma_start3A_77 = tpu.memref_squeeze %dma_start3A_76 : memref<1x125x128xf32, #tpu.memory_space<vmem>> -> memref<125x128xf32, #tpu.memory_space<vmem>>
      %dma_start3A_78 = arith.constant 0 : i32
      %dma_start3A_79 = tpu.memref_slice %arg7[%add3A_72, %dma_start3A_78] : memref<40x125xi32, #tpu.memory_space<vmem>> -> memref<1x125xi32, #tpu.memory_space<vmem>>
      %dma_start3A_80 = tpu.memref_squeeze %dma_start3A_79 : memref<1x125xi32, #tpu.memory_space<vmem>> -> memref<125xi32, #tpu.memory_space<vmem>>
      %dma_start3A_81 = arith.constant 0 : i32
      %dma_start3A_82 = arith.constant 0 : i32
      %dma_start3A_83 = tpu.memref_slice %arg2[%dma_start3A_81, %dma_start3A_82] : memref<10000x128xf32, #tpu.memory_space<hbm>> -> memref<10000x128xf32, #tpu.memory_space<hbm>>
      tpu.enqueue_indirect_dma source(%dma_start3A_83 : memref<10000x128xf32, #tpu.memory_space<hbm>>) target(%dma_start3A_77 : memref<125x128xf32, #tpu.memory_space<vmem>>) offsets(%dma_start3A_80 : memref<125xi32, #tpu.memory_space<vmem>>) semaphore(%arg12 : memref<!tpu.dma_semaphore, #tpu.memory_space<semaphore_mem>>)
      %dma_wait3A_84 = arith.constant 0 : i32
      %dma_wait3A_85 = arith.constant 0 : i32
      %dma_wait3A_86 = arith.constant 0 : i32
      %dma_wait3A_87 = tpu.memref_slice %arg9[%dma_wait3A_84, %dma_wait3A_85, %dma_wait3A_86] : memref<2x125x128xf32, #tpu.memory_space<vmem>> -> memref<1x125x128xf32, #tpu.memory_space<vmem>>
      %dma_wait3A_88 = tpu.memref_squeeze %dma_wait3A_87 : memref<1x125x128xf32, #tpu.memory_space<vmem>> -> memref<125x128xf32, #tpu.memory_space<vmem>>
      %dma_wait3A_89 = arith.constant 0 : i32
      %dma_wait3A_90 = tpu.memref_slice %arg7[%mul3A_70, %dma_wait3A_89] : memref<40x125xi32, #tpu.memory_space<vmem>> -> memref<1x125xi32, #tpu.memory_space<vmem>>
      %dma_wait3A_91 = tpu.memref_squeeze %dma_wait3A_90 : memref<1x125xi32, #tpu.memory_space<vmem>> -> memref<125xi32, #tpu.memory_space<vmem>>
      %dma_wait3A_92 = arith.constant 0 : i32
      %dma_wait3A_93 = arith.constant 0 : i32
      %dma_wait3A_94 = tpu.memref_slice %arg2[%dma_wait3A_92, %dma_wait3A_93] : memref<10000x128xf32, #tpu.memory_space<hbm>> -> memref<10000x128xf32, #tpu.memory_space<hbm>>
      tpu.wait_indirect_dma semaphore(%arg11 : memref<!tpu.dma_semaphore, #tpu.memory_space<semaphore_mem>>) src(%dma_wait3A_94 : memref<10000x128xf32, #tpu.memory_space<hbm>>) dst(%dma_wait3A_88 : memref<125x128xf32, #tpu.memory_space<vmem>>)
      %run_scoped3A = arith.constant 0 : i32
      "tpu.region"() ({
        %run_scoped3A_117 = tpu.sem_alloc : memref<!tpu.dma_semaphore, #tpu.memory_space<semaphore_mem>>
        %dma_start3A_118 = arith.constant 0 : i32
        %dma_start3A_119 = arith.constant 0 : i32
        %dma_start3A_120 = tpu.memref_slice %arg9[%run_scoped3A, %dma_start3A_118, %dma_start3A_119] : memref<2x125x128xf32, #tpu.memory_space<vmem>> -> memref<1x125x128xf32, #tpu.memory_space<vmem>>
        %dma_start3A_121 = tpu.memref_squeeze %dma_start3A_120 : memref<1x125x128xf32, #tpu.memory_space<vmem>> -> memref<125x128xf32, #tpu.memory_space<vmem>>
        %dma_start3A_122 = arith.constant 0 : i32
        %dma_start3A_123 = tpu.memref_slice %arg8[%mul3A_70, %dma_start3A_122] : memref<40x125xi32, #tpu.memory_space<vmem>> -> memref<1x125xi32, #tpu.memory_space<vmem>>
        %dma_start3A_124 = tpu.memref_squeeze %dma_start3A_123 : memref<1x125xi32, #tpu.memory_space<vmem>> -> memref<125xi32, #tpu.memory_space<vmem>>
        %dma_start3A_125 = arith.constant 0 : i32
        %dma_start3A_126 = arith.constant 0 : i32
        %dma_start3A_127 = tpu.memref_slice %arg10[%dma_start3A_125, %dma_start3A_126] : memref<10000x128xf32, #tpu.memory_space<vmem_shared>> -> memref<10000x128xf32, #tpu.memory_space<vmem_shared>>
        tpu.enqueue_indirect_dma source(%dma_start3A_121 : memref<125x128xf32, #tpu.memory_space<vmem>>) target(%dma_start3A_127 : memref<10000x128xf32, #tpu.memory_space<vmem_shared>>) offsets(%dma_start3A_124 : memref<125xi32, #tpu.memory_space<vmem>>) semaphore(%run_scoped3A_117 : memref<!tpu.dma_semaphore, #tpu.memory_space<semaphore_mem>>) {add = true}
        %dma_wait3A_128 = arith.constant 0 : i32
        %dma_wait3A_129 = arith.constant 0 : i32
        %dma_wait3A_130 = tpu.memref_slice %arg9[%run_scoped3A, %dma_wait3A_128, %dma_wait3A_129] : memref<2x125x128xf32, #tpu.memory_space<vmem>> -> memref<1x125x128xf32, #tpu.memory_space<vmem>>
        %dma_wait3A_131 = tpu.memref_squeeze %dma_wait3A_130 : memref<1x125x128xf32, #tpu.memory_space<vmem>> -> memref<125x128xf32, #tpu.memory_space<vmem>>
        %dma_wait3A_132 = arith.constant 0 : i32
        %dma_wait3A_133 = tpu.memref_slice %arg8[%mul3A_70, %dma_wait3A_132] : memref<40x125xi32, #tpu.memory_space<vmem>> -> memref<1x125xi32, #tpu.memory_space<vmem>>
        %dma_wait3A_134 = tpu.memref_squeeze %dma_wait3A_133 : memref<1x125xi32, #tpu.memory_space<vmem>> -> memref<125xi32, #tpu.memory_space<vmem>>
        %dma_wait3A_135 = arith.constant 0 : i32
        %dma_wait3A_136 = arith.constant 0 : i32
        %dma_wait3A_137 = tpu.memref_slice %arg10[%dma_wait3A_135, %dma_wait3A_136] : memref<10000x128xf32, #tpu.memory_space<vmem_shared>> -> memref<10000x128xf32, #tpu.memory_space<vmem_shared>>
        tpu.wait_indirect_dma semaphore(%run_scoped3A_117 : memref<!tpu.dma_semaphore, #tpu.memory_space<semaphore_mem>>) src(%dma_wait3A_131 : memref<125x128xf32, #tpu.memory_space<vmem>>) dst(%dma_wait3A_137 : memref<10000x128xf32, #tpu.memory_space<vmem_shared>>)
        tpu.yield
      }) : () -> ()
      %add3A_95 = arith.constant 1 : i32
      %add3A_96 = arith.addi %scan3A_68, %add3A_95 : i32
      %lt3A = arith.constant 20 : i32
      %lt3A_97 = arith.cmpi slt, %add3A_96, %lt3A : i32
      %convert_element_type3A_98 = arith.extui %lt3A_97 : i1 to i32
      %cond3A_99 = arith.constant 0 : i32
      %cond3A_100 = arith.cmpi ne, %convert_element_type3A_98, %cond3A_99 : i32
      scf.if %cond3A_100 {
        %add3A_117 = arith.constant 2 : i32
        %add3A_118 = arith.addi %mul3A_70, %add3A_117 : i32
        %dma_start3A_119 = arith.constant 0 : i32
        %dma_start3A_120 = arith.constant 0 : i32
        %dma_start3A_121 = arith.constant 0 : i32
        %dma_start3A_122 = tpu.memref_slice %arg9[%dma_start3A_119, %dma_start3A_120, %dma_start3A_121] : memref<2x125x128xf32, #tpu.memory_space<vmem>> -> memref<1x125x128xf32, #tpu.memory_space<vmem>>
        %dma_start3A_123 = tpu.memref_squeeze %dma_start3A_122 : memref<1x125x128xf32, #tpu.memory_space<vmem>> -> memref<125x128xf32, #tpu.memory_space<vmem>>
        %dma_start3A_124 = arith.constant 0 : i32
        %dma_start3A_125 = tpu.memref_slice %arg7[%add3A_118, %dma_start3A_124] : memref<40x125xi32, #tpu.memory_space<vmem>> -> memref<1x125xi32, #tpu.memory_space<vmem>>
        %dma_start3A_126 = tpu.memref_squeeze %dma_start3A_125 : memref<1x125xi32, #tpu.memory_space<vmem>> -> memref<125xi32, #tpu.memory_space<vmem>>
        %dma_start3A_127 = arith.constant 0 : i32
        %dma_start3A_128 = arith.constant 0 : i32
        %dma_start3A_129 = tpu.memref_slice %arg2[%dma_start3A_127, %dma_start3A_128] : memref<10000x128xf32, #tpu.memory_space<hbm>> -> memref<10000x128xf32, #tpu.memory_space<hbm>>
        tpu.enqueue_indirect_dma source(%dma_start3A_129 : memref<10000x128xf32, #tpu.memory_space<hbm>>) target(%dma_start3A_123 : memref<125x128xf32, #tpu.memory_space<vmem>>) offsets(%dma_start3A_126 : memref<125xi32, #tpu.memory_space<vmem>>) semaphore(%arg11 : memref<!tpu.dma_semaphore, #tpu.memory_space<semaphore_mem>>)
      } else {
      }
      %add3A_101 = arith.constant 1 : i32
      %add3A_102 = arith.addi %mul3A_70, %add3A_101 : i32
      %dma_wait3A_103 = arith.constant 1 : i32
      %dma_wait3A_104 = arith.constant 0 : i32
      %dma_wait3A_105 = arith.constant 0 : i32
      %dma_wait3A_106 = tpu.memref_slice %arg9[%dma_wait3A_103, %dma_wait3A_104, %dma_wait3A_105] : memref<2x125x128xf32, #tpu.memory_space<vmem>> -> memref<1x125x128xf32, #tpu.memory_space<vmem>>
      %dma_wait3A_107 = tpu.memref_squeeze %dma_wait3A_106 : memref<1x125x128xf32, #tpu.memory_space<vmem>> -> memref<125x128xf32, #tpu.memory_space<vmem>>
      %dma_wait3A_108 = arith.constant 0 : i32
      %dma_wait3A_109 = tpu.memref_slice %arg7[%add3A_102, %dma_wait3A_108] : memref<40x125xi32, #tpu.memory_space<vmem>> -> memref<1x125xi32, #tpu.memory_space<vmem>>
      %dma_wait3A_110 = tpu.memref_squeeze %dma_wait3A_109 : memref<1x125xi32, #tpu.memory_space<vmem>> -> memref<125xi32, #tpu.memory_space<vmem>>
      %dma_wait3A_111 = arith.constant 0 : i32
      %dma_wait3A_112 = arith.constant 0 : i32
      %dma_wait3A_113 = tpu.memref_slice %arg2[%dma_wait3A_111, %dma_wait3A_112] : memref<10000x128xf32, #tpu.memory_space<hbm>> -> memref<10000x128xf32, #tpu.memory_space<hbm>>
      tpu.wait_indirect_dma semaphore(%arg12 : memref<!tpu.dma_semaphore, #tpu.memory_space<semaphore_mem>>) src(%dma_wait3A_113 : memref<10000x128xf32, #tpu.memory_space<hbm>>) dst(%dma_wait3A_107 : memref<125x128xf32, #tpu.memory_space<vmem>>)
      %add3A_114 = arith.constant 1 : i32
      %add3A_115 = arith.addi %mul3A_70, %add3A_114 : i32
      %run_scoped3A_116 = arith.constant 1 : i32
      "tpu.region"() ({
        %run_scoped3A_117 = tpu.sem_alloc : memref<!tpu.dma_semaphore, #tpu.memory_space<semaphore_mem>>
        %dma_start3A_118 = arith.constant 0 : i32
        %dma_start3A_119 = arith.constant 0 : i32
        %dma_start3A_120 = tpu.memref_slice %arg9[%run_scoped3A_116, %dma_start3A_118, %dma_start3A_119] : memref<2x125x128xf32, #tpu.memory_space<vmem>> -> memref<1x125x128xf32, #tpu.memory_space<vmem>>
        %dma_start3A_121 = tpu.memref_squeeze %dma_start3A_120 : memref<1x125x128xf32, #tpu.memory_space<vmem>> -> memref<125x128xf32, #tpu.memory_space<vmem>>
        %dma_start3A_122 = arith.constant 0 : i32
        %dma_start3A_123 = tpu.memref_slice %arg8[%add3A_115, %dma_start3A_122] : memref<40x125xi32, #tpu.memory_space<vmem>> -> memref<1x125xi32, #tpu.memory_space<vmem>>
        %dma_start3A_124 = tpu.memref_squeeze %dma_start3A_123 : memref<1x125xi32, #tpu.memory_space<vmem>> -> memref<125xi32, #tpu.memory_space<vmem>>
        %dma_start3A_125 = arith.constant 0 : i32
        %dma_start3A_126 = arith.constant 0 : i32
        %dma_start3A_127 = tpu.memref_slice %arg10[%dma_start3A_125, %dma_start3A_126] : memref<10000x128xf32, #tpu.memory_space<vmem_shared>> -> memref<10000x128xf32, #tpu.memory_space<vmem_shared>>
        tpu.enqueue_indirect_dma source(%dma_start3A_121 : memref<125x128xf32, #tpu.memory_space<vmem>>) target(%dma_start3A_127 : memref<10000x128xf32, #tpu.memory_space<vmem_shared>>) offsets(%dma_start3A_124 : memref<125xi32, #tpu.memory_space<vmem>>) semaphore(%run_scoped3A_117 : memref<!tpu.dma_semaphore, #tpu.memory_space<semaphore_mem>>) {add = true}
        %dma_wait3A_128 = arith.constant 0 : i32
        %dma_wait3A_129 = arith.constant 0 : i32
        %dma_wait3A_130 = tpu.memref_slice %arg9[%run_scoped3A_116, %dma_wait3A_128, %dma_wait3A_129] : memref<2x125x128xf32, #tpu.memory_space<vmem>> -> memref<1x125x128xf32, #tpu.memory_space<vmem>>
        %dma_wait3A_131 = tpu.memref_squeeze %dma_wait3A_130 : memref<1x125x128xf32, #tpu.memory_space<vmem>> -> memref<125x128xf32, #tpu.memory_space<vmem>>
        %dma_wait3A_132 = arith.constant 0 : i32
        %dma_wait3A_133 = tpu.memref_slice %arg8[%add3A_115, %dma_wait3A_132] : memref<40x125xi32, #tpu.memory_space<vmem>> -> memref<1x125xi32, #tpu.memory_space<vmem>>
        %dma_wait3A_134 = tpu.memref_squeeze %dma_wait3A_133 : memref<1x125xi32, #tpu.memory_space<vmem>> -> memref<125xi32, #tpu.memory_space<vmem>>
        %dma_wait3A_135 = arith.constant 0 : i32
        %dma_wait3A_136 = arith.constant 0 : i32
        %dma_wait3A_137 = tpu.memref_slice %arg10[%dma_wait3A_135, %dma_wait3A_136] : memref<10000x128xf32, #tpu.memory_space<vmem_shared>> -> memref<10000x128xf32, #tpu.memory_space<vmem_shared>>
        tpu.wait_indirect_dma semaphore(%run_scoped3A_117 : memref<!tpu.dma_semaphore, #tpu.memory_space<semaphore_mem>>) src(%dma_wait3A_131 : memref<125x128xf32, #tpu.memory_space<vmem>>) dst(%dma_wait3A_137 : memref<10000x128xf32, #tpu.memory_space<vmem_shared>>)
        tpu.yield
      }) : () -> ()
    }
    %scan3A_35 = arith.constant 20 : i32
    %mul3A_36 = arith.constant 80 : i32
    %mul3A_37 = arith.muli %add3A, %mul3A_36 : i32
    %add3A_38 = arith.constant 40 : i32
    %add3A_39 = arith.addi %mul3A_37, %add3A_38 : i32
    "tpu.region"() ({
      %run_scoped3A = tpu.sem_alloc : memref<!tpu.dma_semaphore, #tpu.memory_space<semaphore_mem>>
      %dma_start3A_68 = arith.constant 0 : i32
      %dma_start3A_69 = tpu.memref_slice %arg3[%add3A_39, %dma_start3A_68] : memref<2560x125xi32, #tpu.memory_space<hbm>> -> memref<40x125xi32, #tpu.memory_space<hbm>>
      %dma_start3A_70 = arith.constant 0 : i32
      %dma_start3A_71 = tpu.memref_slice %arg3[%add3A_39, %dma_start3A_70] : memref<2560x125xi32, #tpu.memory_space<hbm>> -> memref<40x125xi32, #tpu.memory_space<hbm>>
      tpu.enqueue_dma source(%dma_start3A_71 : memref<40x125xi32, #tpu.memory_space<hbm>>) target(%arg7 : memref<40x125xi32, #tpu.memory_space<vmem>>) target_semaphore(%run_scoped3A : memref<!tpu.dma_semaphore, #tpu.memory_space<semaphore_mem>>)
      %dma_wait3A_72 = arith.constant 0 : i32
      %dma_wait3A_73 = tpu.memref_slice %arg3[%add3A_39, %dma_wait3A_72] : memref<2560x125xi32, #tpu.memory_space<hbm>> -> memref<40x125xi32, #tpu.memory_space<hbm>>
      %dma_wait3A_74 = arith.constant 0 : i32
      %dma_wait3A_75 = tpu.memref_slice %arg3[%add3A_39, %dma_wait3A_74] : memref<2560x125xi32, #tpu.memory_space<hbm>> -> memref<40x125xi32, #tpu.memory_space<hbm>>
      tpu.wait_dma2 semaphore(%run_scoped3A : memref<!tpu.dma_semaphore, #tpu.memory_space<semaphore_mem>>) src(%dma_wait3A_75 : memref<40x125xi32, #tpu.memory_space<hbm>>) dst(%arg7 : memref<40x125xi32, #tpu.memory_space<vmem>>)
      tpu.yield
    }) : () -> ()
    "tpu.region"() ({
      %run_scoped3A = tpu.sem_alloc : memref<!tpu.dma_semaphore, #tpu.memory_space<semaphore_mem>>
      %dma_start3A_68 = arith.constant 0 : i32
      %dma_start3A_69 = tpu.memref_slice %arg4[%add3A_39, %dma_start3A_68] : memref<2560x125xi32, #tpu.memory_space<hbm>> -> memref<40x125xi32, #tpu.memory_space<hbm>>
      %dma_start3A_70 = arith.constant 0 : i32
      %dma_start3A_71 = tpu.memref_slice %arg4[%add3A_39, %dma_start3A_70] : memref<2560x125xi32, #tpu.memory_space<hbm>> -> memref<40x125xi32, #tpu.memory_space<hbm>>
      tpu.enqueue_dma source(%dma_start3A_71 : memref<40x125xi32, #tpu.memory_space<hbm>>) target(%arg8 : memref<40x125xi32, #tpu.memory_space<vmem>>) target_semaphore(%run_scoped3A : memref<!tpu.dma_semaphore, #tpu.memory_space<semaphore_mem>>)
      %dma_wait3A_72 = arith.constant 0 : i32
      %dma_wait3A_73 = tpu.memref_slice %arg4[%add3A_39, %dma_wait3A_72] : memref<2560x125xi32, #tpu.memory_space<hbm>> -> memref<40x125xi32, #tpu.memory_space<hbm>>
      %dma_wait3A_74 = arith.constant 0 : i32
      %dma_wait3A_75 = tpu.memref_slice %arg4[%add3A_39, %dma_wait3A_74] : memref<2560x125xi32, #tpu.memory_space<hbm>> -> memref<40x125xi32, #tpu.memory_space<hbm>>
      tpu.wait_dma2 semaphore(%run_scoped3A : memref<!tpu.dma_semaphore, #tpu.memory_space<semaphore_mem>>) src(%dma_wait3A_75 : memref<40x125xi32, #tpu.memory_space<hbm>>) dst(%arg8 : memref<40x125xi32, #tpu.memory_space<vmem>>)
      tpu.yield
    }) : () -> ()
    %dma_start3A_40 = arith.constant 0 : i32
    %dma_start3A_41 = arith.constant 0 : i32
    %dma_start3A_42 = arith.constant 0 : i32
    %dma_start3A_43 = arith.constant 0 : i32
    %dma_start3A_44 = tpu.memref_slice %arg9[%dma_start3A_41, %dma_start3A_42, %dma_start3A_43] : memref<2x125x128xf32, #tpu.memory_space<vmem>> -> memref<1x125x128xf32, #tpu.memory_space<vmem>>
    %dma_start3A_45 = tpu.memref_squeeze %dma_start3A_44 : memref<1x125x128xf32, #tpu.memory_space<vmem>> -> memref<125x128xf32, #tpu.memory_space<vmem>>
    %dma_start3A_46 = arith.constant 0 : i32
    %dma_start3A_47 = tpu.memref_slice %arg7[%dma_start3A_40, %dma_start3A_46] : memref<40x125xi32, #tpu.memory_space<vmem>> -> memref<1x125xi32, #tpu.memory_space<vmem>>
    %dma_start3A_48 = tpu.memref_squeeze %dma_start3A_47 : memref<1x125xi32, #tpu.memory_space<vmem>> -> memref<125xi32, #tpu.memory_space<vmem>>
    %dma_start3A_49 = arith.constant 0 : i32
    %dma_start3A_50 = arith.constant 0 : i32
    %dma_start3A_51 = tpu.memref_slice %arg2[%dma_start3A_49, %dma_start3A_50] : memref<10000x128xf32, #tpu.memory_space<hbm>> -> memref<10000x128xf32, #tpu.memory_space<hbm>>
    tpu.enqueue_indirect_dma source(%dma_start3A_51 : memref<10000x128xf32, #tpu.memory_space<hbm>>) target(%dma_start3A_45 : memref<125x128xf32, #tpu.memory_space<vmem>>) offsets(%dma_start3A_48 : memref<125xi32, #tpu.memory_space<vmem>>) semaphore(%arg11 : memref<!tpu.dma_semaphore, #tpu.memory_space<semaphore_mem>>)
    %scan3A_52 = arith.constant 0 : i32
    %scan3A_53 = arith.constant 0 : i32
    %scan3A_54 = arith.constant 20 : i32
    %scan3A_55 = arith.addi %scan3A_53, %scan3A_54 : i32
    %scan3A_56 = arith.constant 1 : i32
    scf.for %scan3A_68 = %scan3A_53 to %scan3A_55 step %scan3A_56  : i32 {
      %mul3A_69 = arith.constant 2 : i32
      %mul3A_70 = arith.muli %mul3A_69, %scan3A_68 : i32
      %add3A_71 = arith.constant 1 : i32
      %add3A_72 = arith.addi %mul3A_70, %add3A_71 : i32
      %dma_start3A_73 = arith.constant 1 : i32
      %dma_start3A_74 = arith.constant 0 : i32
      %dma_start3A_75 = arith.constant 0 : i32
      %dma_start3A_76 = tpu.memref_slice %arg9[%dma_start3A_73, %dma_start3A_74, %dma_start3A_75] : memref<2x125x128xf32, #tpu.memory_space<vmem>> -> memref<1x125x128xf32, #tpu.memory_space<vmem>>
      %dma_start3A_77 = tpu.memref_squeeze %dma_start3A_76 : memref<1x125x128xf32, #tpu.memory_space<vmem>> -> memref<125x128xf32, #tpu.memory_space<vmem>>
      %dma_start3A_78 = arith.constant 0 : i32
      %dma_start3A_79 = tpu.memref_slice %arg7[%add3A_72, %dma_start3A_78] : memref<40x125xi32, #tpu.memory_space<vmem>> -> memref<1x125xi32, #tpu.memory_space<vmem>>
      %dma_start3A_80 = tpu.memref_squeeze %dma_start3A_79 : memref<1x125xi32, #tpu.memory_space<vmem>> -> memref<125xi32, #tpu.memory_space<vmem>>
      %dma_start3A_81 = arith.constant 0 : i32
      %dma_start3A_82 = arith.constant 0 : i32
      %dma_start3A_83 = tpu.memref_slice %arg2[%dma_start3A_81, %dma_start3A_82] : memref<10000x128xf32, #tpu.memory_space<hbm>> -> memref<10000x128xf32, #tpu.memory_space<hbm>>
      tpu.enqueue_indirect_dma source(%dma_start3A_83 : memref<10000x128xf32, #tpu.memory_space<hbm>>) target(%dma_start3A_77 : memref<125x128xf32, #tpu.memory_space<vmem>>) offsets(%dma_start3A_80 : memref<125xi32, #tpu.memory_space<vmem>>) semaphore(%arg12 : memref<!tpu.dma_semaphore, #tpu.memory_space<semaphore_mem>>)
      %dma_wait3A_84 = arith.constant 0 : i32
      %dma_wait3A_85 = arith.constant 0 : i32
      %dma_wait3A_86 = arith.constant 0 : i32
      %dma_wait3A_87 = tpu.memref_slice %arg9[%dma_wait3A_84, %dma_wait3A_85, %dma_wait3A_86] : memref<2x125x128xf32, #tpu.memory_space<vmem>> -> memref<1x125x128xf32, #tpu.memory_space<vmem>>
      %dma_wait3A_88 = tpu.memref_squeeze %dma_wait3A_87 : memref<1x125x128xf32, #tpu.memory_space<vmem>> -> memref<125x128xf32, #tpu.memory_space<vmem>>
      %dma_wait3A_89 = arith.constant 0 : i32
      %dma_wait3A_90 = tpu.memref_slice %arg7[%mul3A_70, %dma_wait3A_89] : memref<40x125xi32, #tpu.memory_space<vmem>> -> memref<1x125xi32, #tpu.memory_space<vmem>>
      %dma_wait3A_91 = tpu.memref_squeeze %dma_wait3A_90 : memref<1x125xi32, #tpu.memory_space<vmem>> -> memref<125xi32, #tpu.memory_space<vmem>>
      %dma_wait3A_92 = arith.constant 0 : i32
      %dma_wait3A_93 = arith.constant 0 : i32
      %dma_wait3A_94 = tpu.memref_slice %arg2[%dma_wait3A_92, %dma_wait3A_93] : memref<10000x128xf32, #tpu.memory_space<hbm>> -> memref<10000x128xf32, #tpu.memory_space<hbm>>
      tpu.wait_indirect_dma semaphore(%arg11 : memref<!tpu.dma_semaphore, #tpu.memory_space<semaphore_mem>>) src(%dma_wait3A_94 : memref<10000x128xf32, #tpu.memory_space<hbm>>) dst(%dma_wait3A_88 : memref<125x128xf32, #tpu.memory_space<vmem>>)
      %run_scoped3A = arith.constant 0 : i32
      "tpu.region"() ({
        %run_scoped3A_117 = tpu.sem_alloc : memref<!tpu.dma_semaphore, #tpu.memory_space<semaphore_mem>>
        %dma_start3A_118 = arith.constant 0 : i32
        %dma_start3A_119 = arith.constant 0 : i32
        %dma_start3A_120 = tpu.memref_slice %arg9[%run_scoped3A, %dma_start3A_118, %dma_start3A_119] : memref<2x125x128xf32, #tpu.memory_space<vmem>> -> memref<1x125x128xf32, #tpu.memory_space<vmem>>
        %dma_start3A_121 = tpu.memref_squeeze %dma_start3A_120 : memref<1x125x128xf32, #tpu.memory_space<vmem>> -> memref<125x128xf32, #tpu.memory_space<vmem>>
        %dma_start3A_122 = arith.constant 0 : i32
        %dma_start3A_123 = tpu.memref_slice %arg8[%mul3A_70, %dma_start3A_122] : memref<40x125xi32, #tpu.memory_space<vmem>> -> memref<1x125xi32, #tpu.memory_space<vmem>>
        %dma_start3A_124 = tpu.memref_squeeze %dma_start3A_123 : memref<1x125xi32, #tpu.memory_space<vmem>> -> memref<125xi32, #tpu.memory_space<vmem>>
        %dma_start3A_125 = arith.constant 0 : i32
        %dma_start3A_126 = arith.constant 0 : i32
        %dma_start3A_127 = tpu.memref_slice %arg10[%dma_start3A_125, %dma_start3A_126] : memref<10000x128xf32, #tpu.memory_space<vmem_shared>> -> memref<10000x128xf32, #tpu.memory_space<vmem_shared>>
        tpu.enqueue_indirect_dma source(%dma_start3A_121 : memref<125x128xf32, #tpu.memory_space<vmem>>) target(%dma_start3A_127 : memref<10000x128xf32, #tpu.memory_space<vmem_shared>>) offsets(%dma_start3A_124 : memref<125xi32, #tpu.memory_space<vmem>>) semaphore(%run_scoped3A_117 : memref<!tpu.dma_semaphore, #tpu.memory_space<semaphore_mem>>) {add = true}
        %dma_wait3A_128 = arith.constant 0 : i32
        %dma_wait3A_129 = arith.constant 0 : i32
        %dma_wait3A_130 = tpu.memref_slice %arg9[%run_scoped3A, %dma_wait3A_128, %dma_wait3A_129] : memref<2x125x128xf32, #tpu.memory_space<vmem>> -> memref<1x125x128xf32, #tpu.memory_space<vmem>>
        %dma_wait3A_131 = tpu.memref_squeeze %dma_wait3A_130 : memref<1x125x128xf32, #tpu.memory_space<vmem>> -> memref<125x128xf32, #tpu.memory_space<vmem>>
        %dma_wait3A_132 = arith.constant 0 : i32
        %dma_wait3A_133 = tpu.memref_slice %arg8[%mul3A_70, %dma_wait3A_132] : memref<40x125xi32, #tpu.memory_space<vmem>> -> memref<1x125xi32, #tpu.memory_space<vmem>>
        %dma_wait3A_134 = tpu.memref_squeeze %dma_wait3A_133 : memref<1x125xi32, #tpu.memory_space<vmem>> -> memref<125xi32, #tpu.memory_space<vmem>>
        %dma_wait3A_135 = arith.constant 0 : i32
        %dma_wait3A_136 = arith.constant 0 : i32
        %dma_wait3A_137 = tpu.memref_slice %arg10[%dma_wait3A_135, %dma_wait3A_136] : memref<10000x128xf32, #tpu.memory_space<vmem_shared>> -> memref<10000x128xf32, #tpu.memory_space<vmem_shared>>
        tpu.wait_indirect_dma semaphore(%run_scoped3A_117 : memref<!tpu.dma_semaphore, #tpu.memory_space<semaphore_mem>>) src(%dma_wait3A_131 : memref<125x128xf32, #tpu.memory_space<vmem>>) dst(%dma_wait3A_137 : memref<10000x128xf32, #tpu.memory_space<vmem_shared>>)
        tpu.yield
      }) : () -> ()
      %add3A_95 = arith.constant 1 : i32
      %add3A_96 = arith.addi %scan3A_68, %add3A_95 : i32
      %lt3A = arith.constant 20 : i32
      %lt3A_97 = arith.cmpi slt, %add3A_96, %lt3A : i32
      %convert_element_type3A_98 = arith.extui %lt3A_97 : i1 to i32
      %cond3A_99 = arith.constant 0 : i32
      %cond3A_100 = arith.cmpi ne, %convert_element_type3A_98, %cond3A_99 : i32
      scf.if %cond3A_100 {
        %add3A_117 = arith.constant 2 : i32
        %add3A_118 = arith.addi %mul3A_70, %add3A_117 : i32
        %dma_start3A_119 = arith.constant 0 : i32
        %dma_start3A_120 = arith.constant 0 : i32
        %dma_start3A_121 = arith.constant 0 : i32
        %dma_start3A_122 = tpu.memref_slice %arg9[%dma_start3A_119, %dma_start3A_120, %dma_start3A_121] : memref<2x125x128xf32, #tpu.memory_space<vmem>> -> memref<1x125x128xf32, #tpu.memory_space<vmem>>
        %dma_start3A_123 = tpu.memref_squeeze %dma_start3A_122 : memref<1x125x128xf32, #tpu.memory_space<vmem>> -> memref<125x128xf32, #tpu.memory_space<vmem>>
        %dma_start3A_124 = arith.constant 0 : i32
        %dma_start3A_125 = tpu.memref_slice %arg7[%add3A_118, %dma_start3A_124] : memref<40x125xi32, #tpu.memory_space<vmem>> -> memref<1x125xi32, #tpu.memory_space<vmem>>
        %dma_start3A_126 = tpu.memref_squeeze %dma_start3A_125 : memref<1x125xi32, #tpu.memory_space<vmem>> -> memref<125xi32, #tpu.memory_space<vmem>>
        %dma_start3A_127 = arith.constant 0 : i32
        %dma_start3A_128 = arith.constant 0 : i32
        %dma_start3A_129 = tpu.memref_slice %arg2[%dma_start3A_127, %dma_start3A_128] : memref<10000x128xf32, #tpu.memory_space<hbm>> -> memref<10000x128xf32, #tpu.memory_space<hbm>>
        tpu.enqueue_indirect_dma source(%dma_start3A_129 : memref<10000x128xf32, #tpu.memory_space<hbm>>) target(%dma_start3A_123 : memref<125x128xf32, #tpu.memory_space<vmem>>) offsets(%dma_start3A_126 : memref<125xi32, #tpu.memory_space<vmem>>) semaphore(%arg11 : memref<!tpu.dma_semaphore, #tpu.memory_space<semaphore_mem>>)
      } else {
      }
      %add3A_101 = arith.constant 1 : i32
      %add3A_102 = arith.addi %mul3A_70, %add3A_101 : i32
      %dma_wait3A_103 = arith.constant 1 : i32
      %dma_wait3A_104 = arith.constant 0 : i32
      %dma_wait3A_105 = arith.constant 0 : i32
      %dma_wait3A_106 = tpu.memref_slice %arg9[%dma_wait3A_103, %dma_wait3A_104, %dma_wait3A_105] : memref<2x125x128xf32, #tpu.memory_space<vmem>> -> memref<1x125x128xf32, #tpu.memory_space<vmem>>
      %dma_wait3A_107 = tpu.memref_squeeze %dma_wait3A_106 : memref<1x125x128xf32, #tpu.memory_space<vmem>> -> memref<125x128xf32, #tpu.memory_space<vmem>>
      %dma_wait3A_108 = arith.constant 0 : i32
      %dma_wait3A_109 = tpu.memref_slice %arg7[%add3A_102, %dma_wait3A_108] : memref<40x125xi32, #tpu.memory_space<vmem>> -> memref<1x125xi32, #tpu.memory_space<vmem>>
      %dma_wait3A_110 = tpu.memref_squeeze %dma_wait3A_109 : memref<1x125xi32, #tpu.memory_space<vmem>> -> memref<125xi32, #tpu.memory_space<vmem>>
      %dma_wait3A_111 = arith.constant 0 : i32
      %dma_wait3A_112 = arith.constant 0 : i32
      %dma_wait3A_113 = tpu.memref_slice %arg2[%dma_wait3A_111, %dma_wait3A_112] : memref<10000x128xf32, #tpu.memory_space<hbm>> -> memref<10000x128xf32, #tpu.memory_space<hbm>>
      tpu.wait_indirect_dma semaphore(%arg12 : memref<!tpu.dma_semaphore, #tpu.memory_space<semaphore_mem>>) src(%dma_wait3A_113 : memref<10000x128xf32, #tpu.memory_space<hbm>>) dst(%dma_wait3A_107 : memref<125x128xf32, #tpu.memory_space<vmem>>)
      %add3A_114 = arith.constant 1 : i32
      %add3A_115 = arith.addi %mul3A_70, %add3A_114 : i32
      %run_scoped3A_116 = arith.constant 1 : i32
      "tpu.region"() ({
        %run_scoped3A_117 = tpu.sem_alloc : memref<!tpu.dma_semaphore, #tpu.memory_space<semaphore_mem>>
        %dma_start3A_118 = arith.constant 0 : i32
        %dma_start3A_119 = arith.constant 0 : i32
        %dma_start3A_120 = tpu.memref_slice %arg9[%run_scoped3A_116, %dma_start3A_118, %dma_start3A_119] : memref<2x125x128xf32, #tpu.memory_space<vmem>> -> memref<1x125x128xf32, #tpu.memory_space<vmem>>
        %dma_start3A_121 = tpu.memref_squeeze %dma_start3A_120 : memref<1x125x128xf32, #tpu.memory_space<vmem>> -> memref<125x128xf32, #tpu.memory_space<vmem>>
        %dma_start3A_122 = arith.constant 0 : i32
        %dma_start3A_123 = tpu.memref_slice %arg8[%add3A_115, %dma_start3A_122] : memref<40x125xi32, #tpu.memory_space<vmem>> -> memref<1x125xi32, #tpu.memory_space<vmem>>
        %dma_start3A_124 = tpu.memref_squeeze %dma_start3A_123 : memref<1x125xi32, #tpu.memory_space<vmem>> -> memref<125xi32, #tpu.memory_space<vmem>>
        %dma_start3A_125 = arith.constant 0 : i32
        %dma_start3A_126 = arith.constant 0 : i32
        %dma_start3A_127 = tpu.memref_slice %arg10[%dma_start3A_125, %dma_start3A_126] : memref<10000x128xf32, #tpu.memory_space<vmem_shared>> -> memref<10000x128xf32, #tpu.memory_space<vmem_shared>>
        tpu.enqueue_indirect_dma source(%dma_start3A_121 : memref<125x128xf32, #tpu.memory_space<vmem>>) target(%dma_start3A_127 : memref<10000x128xf32, #tpu.memory_space<vmem_shared>>) offsets(%dma_start3A_124 : memref<125xi32, #tpu.memory_space<vmem>>) semaphore(%run_scoped3A_117 : memref<!tpu.dma_semaphore, #tpu.memory_space<semaphore_mem>>) {add = true}
        %dma_wait3A_128 = arith.constant 0 : i32
        %dma_wait3A_129 = arith.constant 0 : i32
        %dma_wait3A_130 = tpu.memref_slice %arg9[%run_scoped3A_116, %dma_wait3A_128, %dma_wait3A_129] : memref<2x125x128xf32, #tpu.memory_space<vmem>> -> memref<1x125x128xf32, #tpu.memory_space<vmem>>
        %dma_wait3A_131 = tpu.memref_squeeze %dma_wait3A_130 : memref<1x125x128xf32, #tpu.memory_space<vmem>> -> memref<125x128xf32, #tpu.memory_space<vmem>>
        %dma_wait3A_132 = arith.constant 0 : i32
        %dma_wait3A_133 = tpu.memref_slice %arg8[%add3A_115, %dma_wait3A_132] : memref<40x125xi32, #tpu.memory_space<vmem>> -> memref<1x125xi32, #tpu.memory_space<vmem>>
        %dma_wait3A_134 = tpu.memref_squeeze %dma_wait3A_133 : memref<1x125xi32, #tpu.memory_space<vmem>> -> memref<125xi32, #tpu.memory_space<vmem>>
        %dma_wait3A_135 = arith.constant 0 : i32
        %dma_wait3A_136 = arith.constant 0 : i32
        %dma_wait3A_137 = tpu.memref_slice %arg10[%dma_wait3A_135, %dma_wait3A_136] : memref<10000x128xf32, #tpu.memory_space<vmem_shared>> -> memref<10000x128xf32, #tpu.memory_space<vmem_shared>>
        tpu.wait_indirect_dma semaphore(%run_scoped3A_117 : memref<!tpu.dma_semaphore, #tpu.memory_space<semaphore_mem>>) src(%dma_wait3A_131 : memref<125x128xf32, #tpu.memory_space<vmem>>) dst(%dma_wait3A_137 : memref<10000x128xf32, #tpu.memory_space<vmem_shared>>)
        tpu.yield
      }) : () -> ()
    }
    %scan3A_57 = arith.constant 20 : i32
    %barrier3A_58 = arith.constant 0 : index
    tpu.barrier barrier_id(%barrier3A_58)
    %mul3A_59 = arith.constant 624 : i32
    %mul3A_60 = arith.muli %arg1, %mul3A_59 : i32
    %mul3A_61 = arith.constant 624 : i32
    %mul3A_62 = arith.muli %arg1, %mul3A_61 : i32
    "tpu.region"() ({
      %run_scoped3A = tpu.sem_alloc : memref<!tpu.dma_semaphore, #tpu.memory_space<semaphore_mem>>
      %dma_start3A_68 = arith.constant 0 : i32
      %dma_start3A_69 = tpu.memref_slice %arg6[%arg0, %mul3A_62, %dma_start3A_68] : memref<2x10000x128xf32, #tpu.memory_space<hbm>> -> memref<1x624x128xf32, #tpu.memory_space<hbm>>
      %dma_start3A_70 = tpu.memref_squeeze %dma_start3A_69 : memref<1x624x128xf32, #tpu.memory_space<hbm>> -> memref<624x128xf32, #tpu.memory_space<hbm>>
      %dma_start3A_71 = arith.constant 0 : i32
      %dma_start3A_72 = tpu.memref_slice %arg10[%mul3A_60, %dma_start3A_71] : memref<10000x128xf32, #tpu.memory_space<vmem_shared>> -> memref<624x128xf32, #tpu.memory_space<vmem_shared>>
      tpu.enqueue_dma source(%dma_start3A_72 : memref<624x128xf32, #tpu.memory_space<vmem_shared>>) target(%dma_start3A_70 : memref<624x128xf32, #tpu.memory_space<hbm>>) target_semaphore(%run_scoped3A : memref<!tpu.dma_semaphore, #tpu.memory_space<semaphore_mem>>)
      %dma_wait3A_73 = arith.constant 0 : i32
      %dma_wait3A_74 = tpu.memref_slice %arg6[%arg0, %mul3A_62, %dma_wait3A_73] : memref<2x10000x128xf32, #tpu.memory_space<hbm>> -> memref<1x624x128xf32, #tpu.memory_space<hbm>>
      %dma_wait3A_75 = tpu.memref_squeeze %dma_wait3A_74 : memref<1x624x128xf32, #tpu.memory_space<hbm>> -> memref<624x128xf32, #tpu.memory_space<hbm>>
      %dma_wait3A_76 = arith.constant 0 : i32
      %dma_wait3A_77 = tpu.memref_slice %arg10[%mul3A_60, %dma_wait3A_76] : memref<10000x128xf32, #tpu.memory_space<vmem_shared>> -> memref<624x128xf32, #tpu.memory_space<vmem_shared>>
      tpu.wait_dma2 semaphore(%run_scoped3A : memref<!tpu.dma_semaphore, #tpu.memory_space<semaphore_mem>>) src(%dma_wait3A_77 : memref<624x128xf32, #tpu.memory_space<vmem_shared>>) dst(%dma_wait3A_75 : memref<624x128xf32, #tpu.memory_space<hbm>>)
      tpu.yield
    }) : () -> ()
    %eq3A_63 = arith.constant 15 : i32
    %eq3A_64 = arith.cmpi eq, %arg1, %eq3A_63 : i32
    %convert_element_type3A_65 = arith.extui %eq3A_64 : i1 to i32
    %cond3A_66 = arith.constant 0 : i32
    %cond3A_67 = arith.cmpi ne, %convert_element_type3A_65, %cond3A_66 : i32
    scf.if %cond3A_67 {
      "tpu.region"() ({
        %run_scoped3A = tpu.sem_alloc : memref<!tpu.dma_semaphore, #tpu.memory_space<semaphore_mem>>
        %dma_start3A_68 = arith.constant 9984 : i32
        %dma_start3A_69 = arith.constant 0 : i32
        %dma_start3A_70 = tpu.memref_slice %arg6[%arg0, %dma_start3A_68, %dma_start3A_69] : memref<2x10000x128xf32, #tpu.memory_space<hbm>> -> memref<1x16x128xf32, #tpu.memory_space<hbm>>
        %dma_start3A_71 = tpu.memref_squeeze %dma_start3A_70 : memref<1x16x128xf32, #tpu.memory_space<hbm>> -> memref<16x128xf32, #tpu.memory_space<hbm>>
        %dma_start3A_72 = arith.constant 9984 : i32
        %dma_start3A_73 = arith.constant 0 : i32
        %dma_start3A_74 = tpu.memref_slice %arg10[%dma_start3A_72, %dma_start3A_73] : memref<10000x128xf32, #tpu.memory_space<vmem_shared>> -> memref<16x128xf32, #tpu.memory_space<vmem_shared>>
        tpu.enqueue_dma source(%dma_start3A_74 : memref<16x128xf32, #tpu.memory_space<vmem_shared>>) target(%dma_start3A_71 : memref<16x128xf32, #tpu.memory_space<hbm>>) target_semaphore(%run_scoped3A : memref<!tpu.dma_semaphore, #tpu.memory_space<semaphore_mem>>)
        %dma_wait3A_75 = arith.constant 9984 : i32
        %dma_wait3A_76 = arith.constant 0 : i32
        %dma_wait3A_77 = tpu.memref_slice %arg6[%arg0, %dma_wait3A_75, %dma_wait3A_76] : memref<2x10000x128xf32, #tpu.memory_space<hbm>> -> memref<1x16x128xf32, #tpu.memory_space<hbm>>
        %dma_wait3A_78 = tpu.memref_squeeze %dma_wait3A_77 : memref<1x16x128xf32, #tpu.memory_space<hbm>> -> memref<16x128xf32, #tpu.memory_space<hbm>>
        %dma_wait3A_79 = arith.constant 9984 : i32
        %dma_wait3A_80 = arith.constant 0 : i32
        %dma_wait3A_81 = tpu.memref_slice %arg10[%dma_wait3A_79, %dma_wait3A_80] : memref<10000x128xf32, #tpu.memory_space<vmem_shared>> -> memref<16x128xf32, #tpu.memory_space<vmem_shared>>
        tpu.wait_dma2 semaphore(%run_scoped3A : memref<!tpu.dma_semaphore, #tpu.memory_space<semaphore_mem>>) src(%dma_wait3A_81 : memref<16x128xf32, #tpu.memory_space<vmem_shared>>) dst(%dma_wait3A_78 : memref<16x128xf32, #tpu.memory_space<hbm>>)
        tpu.yield
      }) : () -> ()
    } else {
    }
    return
  }
}

module attributes {stable_mosaic.version = 14 : i64} {
  func.func @_mlp1_body(%arg0: i32, %arg1: memref<1x1xf32, #tpu.memory_space<vmem>>, %arg2: memref<2000x128xf32, #tpu.memory_space<vmem>>, %arg3: memref<2x2000x128xf32, #tpu.memory_space<vmem>>, %arg4: memref<128x256xf32, #tpu.memory_space<vmem>>, %arg5: memref<1x256xf32, #tpu.memory_space<vmem>>, %arg6: memref<1x256xf32, #tpu.memory_space<vmem>>, %arg7: memref<1x256xf32, #tpu.memory_space<vmem>>, %arg8: memref<256x128xf32, #tpu.memory_space<vmem>>, %arg9: memref<1x128xf32, #tpu.memory_space<vmem>>, %arg10: memref<2000x128xf32, #tpu.memory_space<vmem>>) attributes {dimension_semantics = [#tpu.dimension_semantics<arbitrary>], iteration_bounds = array<i64: 5>, scalar_prefetch = 0 : i64, scratch_operands = 0 : i64, tpu.core_type = #tpu.core_type<tc>, window_params = [{pipeline_mode = #tpu.pipeline_mode<synchronous>, transform_indices = @transform_0, window_bounds = array<i64: 1, 1>}, {transform_indices = @transform_1, window_bounds = array<i64: 2000, 128>}, {transform_indices = @transform_2, window_bounds = array<i64: 2, 2000, 128>}, {pipeline_mode = #tpu.pipeline_mode<synchronous>, transform_indices = @transform_3, window_bounds = array<i64: 128, 256>}, {pipeline_mode = #tpu.pipeline_mode<synchronous>, transform_indices = @transform_4, window_bounds = array<i64: 1, 256>}, {pipeline_mode = #tpu.pipeline_mode<synchronous>, transform_indices = @transform_5, window_bounds = array<i64: 1, 256>}, {pipeline_mode = #tpu.pipeline_mode<synchronous>, transform_indices = @transform_6, window_bounds = array<i64: 1, 256>}, {pipeline_mode = #tpu.pipeline_mode<synchronous>, transform_indices = @transform_7, window_bounds = array<i64: 256, 128>}, {pipeline_mode = #tpu.pipeline_mode<synchronous>, transform_indices = @transform_8, window_bounds = array<i64: 1, 128>}, {transform_indices = @transform_9, window_bounds = array<i64: 2000, 128>}]} {
    %get3A = arith.constant 0 : index
    %get3A_0 = arith.constant 0 : index
    %get3A_1 = vector.load %arg2[%get3A, %get3A_0] : memref<2000x128xf32, #tpu.memory_space<vmem>>, vector<2000x128xf32>
    %get3A_2 = arith.constant 0 : index
    %get3A_3 = arith.constant 0 : index
    %get3A_4 = vector.load %arg1[%get3A_2, %get3A_3] : memref<1x1xf32, #tpu.memory_space<vmem>>, vector<1x1xf32>
    %get3A_5 = vector.extract %get3A_4[0, 0] : f32 from vector<1x1xf32>
    %add3A = arith.constant 1.000000e+00 : f32
    %add3A_6 = arith.addf %add3A, %get3A_5 : f32
    %mul3A = vector.broadcast %add3A_6 : f32 to vector<2000x128xf32>
    %mul3A_7 = arith.mulf %get3A_1, %mul3A : vector<2000x128xf32>
    %get3A_8 = arith.constant 0 : index
    %get3A_9 = arith.constant 0 : index
    %get3A_10 = arith.constant 0 : index
    %get3A_11 = vector.load %arg3[%get3A_8, %get3A_9, %get3A_10] : memref<2x2000x128xf32, #tpu.memory_space<vmem>>, vector<1x2000x128xf32>
    %get3A_12 = vector.shape_cast %get3A_11 : vector<1x2000x128xf32> to vector<2000x128xf32>
    %add3A_13 = arith.addf %mul3A_7, %get3A_12 : vector<2000x128xf32>
    %get3A_14 = arith.constant 1 : index
    %get3A_15 = arith.constant 0 : index
    %get3A_16 = arith.constant 0 : index
    %get3A_17 = vector.load %arg3[%get3A_14, %get3A_15, %get3A_16] : memref<2x2000x128xf32, #tpu.memory_space<vmem>>, vector<1x2000x128xf32>
    %get3A_18 = vector.shape_cast %get3A_17 : vector<1x2000x128xf32> to vector<2000x128xf32>
    %add3A_19 = arith.addf %add3A_13, %get3A_18 : vector<2000x128xf32>
    %get3A_20 = arith.constant 0 : index
    %get3A_21 = arith.constant 0 : index
    %get3A_22 = vector.load %arg6[%get3A_20, %get3A_21] : memref<1x256xf32, #tpu.memory_space<vmem>>, vector<1x256xf32>
    %mul3A_23 = arith.constant 0.999994993 : f32
    %mul3A_24 = vector.broadcast %mul3A_23 : f32 to vector<1x256xf32>
    %mul3A_25 = arith.mulf %get3A_22, %mul3A_24 : vector<1x256xf32>
    %get3A_26 = arith.constant 0 : index
    %get3A_27 = arith.constant 0 : index
    %get3A_28 = vector.load %arg4[%get3A_26, %get3A_27] : memref<128x256xf32, #tpu.memory_space<vmem>>, vector<128x256xf32>
    %convert_element_type3A = arith.truncf %add3A_19 : vector<2000x128xf32> to vector<2000x128xbf16>
    %convert_element_type3A_29 = arith.truncf %get3A_28 : vector<128x256xf32> to vector<128x256xbf16>
    %dot_general3A = arith.constant dense<0.000000e+00> : vector<2000x256xf32>
    %dot_general3A_30 = tpu.matmul %convert_element_type3A, %convert_element_type3A_29, %dot_general3A {dimension_numbers = #tpu.dot_dimension_numbers<[1], [0], [0], [1], [0, 0, 1, 1], [], []>, transpose_lhs_hint = false} : vector<2000x128xbf16>, vector<128x256xbf16>, vector<2000x256xf32> -> vector<2000x256xf32>
    %mul3A_31 = vector.broadcast %mul3A_25 : vector<1x256xf32> to vector<2000x256xf32>
    %mul3A_32 = arith.mulf %dot_general3A_30, %mul3A_31 : vector<2000x256xf32>
    %get3A_33 = arith.constant 0 : index
    %get3A_34 = arith.constant 0 : index
    %get3A_35 = vector.load %arg5[%get3A_33, %get3A_34] : memref<1x256xf32, #tpu.memory_space<vmem>>, vector<1x256xf32>
    %mul3A_36 = arith.mulf %get3A_35, %mul3A_25 : vector<1x256xf32>
    %add3A_37 = vector.broadcast %mul3A_36 : vector<1x256xf32> to vector<2000x256xf32>
    %add3A_38 = arith.addf %mul3A_32, %add3A_37 : vector<2000x256xf32>
    %get3A_39 = arith.constant 0 : index
    %get3A_40 = arith.constant 0 : index
    %get3A_41 = vector.load %arg7[%get3A_39, %get3A_40] : memref<1x256xf32, #tpu.memory_space<vmem>>, vector<1x256xf32>
    %add3A_42 = vector.broadcast %get3A_41 : vector<1x256xf32> to vector<2000x256xf32>
    %add3A_43 = arith.addf %add3A_38, %add3A_42 : vector<2000x256xf32>
    %tanh3A = math.tanh %add3A_43 : vector<2000x256xf32>
    %get3A_44 = arith.constant 0 : index
    %get3A_45 = arith.constant 0 : index
    %get3A_46 = vector.load %arg8[%get3A_44, %get3A_45] : memref<256x128xf32, #tpu.memory_space<vmem>>, vector<256x128xf32>
    %convert_element_type3A_47 = arith.truncf %tanh3A : vector<2000x256xf32> to vector<2000x256xbf16>
    %convert_element_type3A_48 = arith.truncf %get3A_46 : vector<256x128xf32> to vector<256x128xbf16>
    %dot_general3A_49 = arith.constant dense<0.000000e+00> : vector<2000x128xf32>
    %dot_general3A_50 = tpu.matmul %convert_element_type3A_47, %convert_element_type3A_48, %dot_general3A_49 {dimension_numbers = #tpu.dot_dimension_numbers<[1], [0], [0], [1], [0, 0, 1, 1], [], []>, transpose_lhs_hint = false} : vector<2000x256xbf16>, vector<256x128xbf16>, vector<2000x128xf32> -> vector<2000x128xf32>
    %get3A_51 = arith.constant 0 : index
    %get3A_52 = arith.constant 0 : index
    %get3A_53 = vector.load %arg9[%get3A_51, %get3A_52] : memref<1x128xf32, #tpu.memory_space<vmem>>, vector<1x128xf32>
    %add3A_54 = vector.broadcast %get3A_53 : vector<1x128xf32> to vector<2000x128xf32>
    %add3A_55 = arith.addf %dot_general3A_50, %add3A_54 : vector<2000x128xf32>
    %tanh3A_56 = math.tanh %add3A_55 : vector<2000x128xf32>
    %swap3A = arith.constant 0 : index
    %swap3A_57 = arith.constant 0 : index
    %swap3A_58 = vector.load %arg10[%swap3A, %swap3A_57] : memref<2000x128xf32, #tpu.memory_space<vmem>>, vector<2000x128xf32>
    tpu.vector_store %arg10[%swap3A, %swap3A_57], %tanh3A_56 {strides = array<i32>} : memref<2000x128xf32, #tpu.memory_space<vmem>>, vector<2000x128xf32>,
    return
  }
  func.func @transform_0(%arg0: i32) -> (i32, i32) {
    %c0_i32 = arith.constant 0 : i32
    %c0_i32_0 = arith.constant 0 : i32
    %c0_i32_1 = arith.constant 0 : i32
    return %c0_i32, %c0_i32_0 : i32, i32
  }
  func.func @transform_1(%arg0: i32) -> (i32, i32) {
    %c0_i32 = arith.constant 0 : i32
    %c0_i32_0 = arith.constant 0 : i32
    return %arg0, %c0_i32 : i32, i32
  }
  func.func @transform_2(%arg0: i32) -> (i32, i32, i32) {
    %c0_i32 = arith.constant 0 : i32
    %c0_i32_0 = arith.constant 0 : i32
    %c0_i32_1 = arith.constant 0 : i32
    return %c0_i32, %arg0, %c0_i32_0 : i32, i32, i32
  }
  func.func @transform_3(%arg0: i32) -> (i32, i32) {
    %c0_i32 = arith.constant 0 : i32
    %c0_i32_0 = arith.constant 0 : i32
    %c0_i32_1 = arith.constant 0 : i32
    return %c0_i32, %c0_i32_0 : i32, i32
  }
  func.func @transform_4(%arg0: i32) -> (i32, i32) {
    %c0_i32 = arith.constant 0 : i32
    %c0_i32_0 = arith.constant 0 : i32
    %c0_i32_1 = arith.constant 0 : i32
    return %c0_i32, %c0_i32_0 : i32, i32
  }
  func.func @transform_5(%arg0: i32) -> (i32, i32) {
    %c0_i32 = arith.constant 0 : i32
    %c0_i32_0 = arith.constant 0 : i32
    %c0_i32_1 = arith.constant 0 : i32
    return %c0_i32, %c0_i32_0 : i32, i32
  }
  func.func @transform_6(%arg0: i32) -> (i32, i32) {
    %c0_i32 = arith.constant 0 : i32
    %c0_i32_0 = arith.constant 0 : i32
    %c0_i32_1 = arith.constant 0 : i32
    return %c0_i32, %c0_i32_0 : i32, i32
  }
  func.func @transform_7(%arg0: i32) -> (i32, i32) {
    %c0_i32 = arith.constant 0 : i32
    %c0_i32_0 = arith.constant 0 : i32
    %c0_i32_1 = arith.constant 0 : i32
    return %c0_i32, %c0_i32_0 : i32, i32
  }
  func.func @transform_8(%arg0: i32) -> (i32, i32) {
    %c0_i32 = arith.constant 0 : i32
    %c0_i32_0 = arith.constant 0 : i32
    %c0_i32_1 = arith.constant 0 : i32
    return %c0_i32, %c0_i32_0 : i32, i32
  }
  func.func @transform_9(%arg0: i32) -> (i32, i32) {
    %c0_i32 = arith.constant 0 : i32
    %c0_i32_0 = arith.constant 0 : i32
    return %arg0, %c0_i32 : i32, i32
  }
}

module attributes {stable_mosaic.version = 14 : i64} {
  func.func @_mlp2_body(%arg0: i32, %arg1: memref<1x1xf32, #tpu.memory_space<vmem>>, %arg2: memref<2000x128xf32, #tpu.memory_space<vmem>>, %arg3: memref<2x2000x128xf32, #tpu.memory_space<vmem>>, %arg4: memref<128x256xf32, #tpu.memory_space<vmem>>, %arg5: memref<1x256xf32, #tpu.memory_space<vmem>>, %arg6: memref<1x256xf32, #tpu.memory_space<vmem>>, %arg7: memref<1x256xf32, #tpu.memory_space<vmem>>, %arg8: memref<256x128xf32, #tpu.memory_space<vmem>>, %arg9: memref<1x128xf32, #tpu.memory_space<vmem>>, %arg10: memref<128x128xf32, #tpu.memory_space<vmem>>, %arg11: memref<1x128xf32, #tpu.memory_space<vmem>>, %arg12: memref<2000x128xf32, #tpu.memory_space<vmem>>) attributes {dimension_semantics = [#tpu.dimension_semantics<arbitrary>], iteration_bounds = array<i64: 5>, scalar_prefetch = 0 : i64, scratch_operands = 0 : i64, tpu.core_type = #tpu.core_type<tc>, window_params = [{pipeline_mode = #tpu.pipeline_mode<synchronous>, transform_indices = @transform_0, window_bounds = array<i64: 1, 1>}, {transform_indices = @transform_1, window_bounds = array<i64: 2000, 128>}, {transform_indices = @transform_2, window_bounds = array<i64: 2, 2000, 128>}, {pipeline_mode = #tpu.pipeline_mode<synchronous>, transform_indices = @transform_3, window_bounds = array<i64: 128, 256>}, {pipeline_mode = #tpu.pipeline_mode<synchronous>, transform_indices = @transform_4, window_bounds = array<i64: 1, 256>}, {pipeline_mode = #tpu.pipeline_mode<synchronous>, transform_indices = @transform_5, window_bounds = array<i64: 1, 256>}, {pipeline_mode = #tpu.pipeline_mode<synchronous>, transform_indices = @transform_6, window_bounds = array<i64: 1, 256>}, {pipeline_mode = #tpu.pipeline_mode<synchronous>, transform_indices = @transform_7, window_bounds = array<i64: 256, 128>}, {pipeline_mode = #tpu.pipeline_mode<synchronous>, transform_indices = @transform_8, window_bounds = array<i64: 1, 128>}, {pipeline_mode = #tpu.pipeline_mode<synchronous>, transform_indices = @transform_9, window_bounds = array<i64: 128, 128>}, {pipeline_mode = #tpu.pipeline_mode<synchronous>, transform_indices = @transform_10, window_bounds = array<i64: 1, 128>}, {transform_indices = @transform_11, window_bounds = array<i64: 2000, 128>}]} {
    %get3A = arith.constant 0 : index
    %get3A_0 = arith.constant 0 : index
    %get3A_1 = vector.load %arg2[%get3A, %get3A_0] : memref<2000x128xf32, #tpu.memory_space<vmem>>, vector<2000x128xf32>
    %get3A_2 = arith.constant 0 : index
    %get3A_3 = arith.constant 0 : index
    %get3A_4 = vector.load %arg1[%get3A_2, %get3A_3] : memref<1x1xf32, #tpu.memory_space<vmem>>, vector<1x1xf32>
    %get3A_5 = vector.extract %get3A_4[0, 0] : f32 from vector<1x1xf32>
    %add3A = arith.constant 1.000000e+00 : f32
    %add3A_6 = arith.addf %add3A, %get3A_5 : f32
    %mul3A = vector.broadcast %add3A_6 : f32 to vector<2000x128xf32>
    %mul3A_7 = arith.mulf %get3A_1, %mul3A : vector<2000x128xf32>
    %get3A_8 = arith.constant 0 : index
    %get3A_9 = arith.constant 0 : index
    %get3A_10 = arith.constant 0 : index
    %get3A_11 = vector.load %arg3[%get3A_8, %get3A_9, %get3A_10] : memref<2x2000x128xf32, #tpu.memory_space<vmem>>, vector<1x2000x128xf32>
    %get3A_12 = vector.shape_cast %get3A_11 : vector<1x2000x128xf32> to vector<2000x128xf32>
    %add3A_13 = arith.addf %mul3A_7, %get3A_12 : vector<2000x128xf32>
    %get3A_14 = arith.constant 1 : index
    %get3A_15 = arith.constant 0 : index
    %get3A_16 = arith.constant 0 : index
    %get3A_17 = vector.load %arg3[%get3A_14, %get3A_15, %get3A_16] : memref<2x2000x128xf32, #tpu.memory_space<vmem>>, vector<1x2000x128xf32>
    %get3A_18 = vector.shape_cast %get3A_17 : vector<1x2000x128xf32> to vector<2000x128xf32>
    %add3A_19 = arith.addf %add3A_13, %get3A_18 : vector<2000x128xf32>
    %get3A_20 = arith.constant 0 : index
    %get3A_21 = arith.constant 0 : index
    %get3A_22 = vector.load %arg6[%get3A_20, %get3A_21] : memref<1x256xf32, #tpu.memory_space<vmem>>, vector<1x256xf32>
    %mul3A_23 = arith.constant 0.999994993 : f32
    %mul3A_24 = vector.broadcast %mul3A_23 : f32 to vector<1x256xf32>
    %mul3A_25 = arith.mulf %get3A_22, %mul3A_24 : vector<1x256xf32>
    %get3A_26 = arith.constant 0 : index
    %get3A_27 = arith.constant 0 : index
    %get3A_28 = vector.load %arg4[%get3A_26, %get3A_27] : memref<128x256xf32, #tpu.memory_space<vmem>>, vector<128x256xf32>
    %convert_element_type3A = arith.truncf %add3A_19 : vector<2000x128xf32> to vector<2000x128xbf16>
    %convert_element_type3A_29 = arith.truncf %get3A_28 : vector<128x256xf32> to vector<128x256xbf16>
    %dot_general3A = arith.constant dense<0.000000e+00> : vector<2000x256xf32>
    %dot_general3A_30 = tpu.matmul %convert_element_type3A, %convert_element_type3A_29, %dot_general3A {dimension_numbers = #tpu.dot_dimension_numbers<[1], [0], [0], [1], [0, 0, 1, 1], [], []>, transpose_lhs_hint = false} : vector<2000x128xbf16>, vector<128x256xbf16>, vector<2000x256xf32> -> vector<2000x256xf32>
    %mul3A_31 = vector.broadcast %mul3A_25 : vector<1x256xf32> to vector<2000x256xf32>
    %mul3A_32 = arith.mulf %dot_general3A_30, %mul3A_31 : vector<2000x256xf32>
    %get3A_33 = arith.constant 0 : index
    %get3A_34 = arith.constant 0 : index
    %get3A_35 = vector.load %arg5[%get3A_33, %get3A_34] : memref<1x256xf32, #tpu.memory_space<vmem>>, vector<1x256xf32>
    %mul3A_36 = arith.mulf %get3A_35, %mul3A_25 : vector<1x256xf32>
    %add3A_37 = vector.broadcast %mul3A_36 : vector<1x256xf32> to vector<2000x256xf32>
    %add3A_38 = arith.addf %mul3A_32, %add3A_37 : vector<2000x256xf32>
    %get3A_39 = arith.constant 0 : index
    %get3A_40 = arith.constant 0 : index
    %get3A_41 = vector.load %arg7[%get3A_39, %get3A_40] : memref<1x256xf32, #tpu.memory_space<vmem>>, vector<1x256xf32>
    %add3A_42 = vector.broadcast %get3A_41 : vector<1x256xf32> to vector<2000x256xf32>
    %add3A_43 = arith.addf %add3A_38, %add3A_42 : vector<2000x256xf32>
    %tanh3A = math.tanh %add3A_43 : vector<2000x256xf32>
    %get3A_44 = arith.constant 0 : index
    %get3A_45 = arith.constant 0 : index
    %get3A_46 = vector.load %arg8[%get3A_44, %get3A_45] : memref<256x128xf32, #tpu.memory_space<vmem>>, vector<256x128xf32>
    %convert_element_type3A_47 = arith.truncf %tanh3A : vector<2000x256xf32> to vector<2000x256xbf16>
    %convert_element_type3A_48 = arith.truncf %get3A_46 : vector<256x128xf32> to vector<256x128xbf16>
    %dot_general3A_49 = arith.constant dense<0.000000e+00> : vector<2000x128xf32>
    %dot_general3A_50 = tpu.matmul %convert_element_type3A_47, %convert_element_type3A_48, %dot_general3A_49 {dimension_numbers = #tpu.dot_dimension_numbers<[1], [0], [0], [1], [0, 0, 1, 1], [], []>, transpose_lhs_hint = false} : vector<2000x256xbf16>, vector<256x128xbf16>, vector<2000x128xf32> -> vector<2000x128xf32>
    %get3A_51 = arith.constant 0 : index
    %get3A_52 = arith.constant 0 : index
    %get3A_53 = vector.load %arg9[%get3A_51, %get3A_52] : memref<1x128xf32, #tpu.memory_space<vmem>>, vector<1x128xf32>
    %add3A_54 = vector.broadcast %get3A_53 : vector<1x128xf32> to vector<2000x128xf32>
    %add3A_55 = arith.addf %dot_general3A_50, %add3A_54 : vector<2000x128xf32>
    %tanh3A_56 = math.tanh %add3A_55 : vector<2000x128xf32>
    %get3A_57 = arith.constant 0 : index
    %get3A_58 = arith.constant 0 : index
    %get3A_59 = vector.load %arg10[%get3A_57, %get3A_58] : memref<128x128xf32, #tpu.memory_space<vmem>>, vector<128x128xf32>
    %convert_element_type3A_60 = arith.truncf %tanh3A_56 : vector<2000x128xf32> to vector<2000x128xbf16>
    %convert_element_type3A_61 = arith.truncf %get3A_59 : vector<128x128xf32> to vector<128x128xbf16>
    %dot_general3A_62 = arith.constant dense<0.000000e+00> : vector<2000x128xf32>
    %dot_general3A_63 = tpu.matmul %convert_element_type3A_60, %convert_element_type3A_61, %dot_general3A_62 {dimension_numbers = #tpu.dot_dimension_numbers<[1], [0], [0], [1], [0, 0, 1, 1], [], []>, transpose_lhs_hint = false} : vector<2000x128xbf16>, vector<128x128xbf16>, vector<2000x128xf32> -> vector<2000x128xf32>
    %get3A_64 = arith.constant 0 : index
    %get3A_65 = arith.constant 0 : index
    %get3A_66 = vector.load %arg11[%get3A_64, %get3A_65] : memref<1x128xf32, #tpu.memory_space<vmem>>, vector<1x128xf32>
    %add3A_67 = vector.broadcast %get3A_66 : vector<1x128xf32> to vector<2000x128xf32>
    %add3A_68 = arith.addf %dot_general3A_63, %add3A_67 : vector<2000x128xf32>
    %tanh3A_69 = math.tanh %add3A_68 : vector<2000x128xf32>
    %swap3A = arith.constant 0 : index
    %swap3A_70 = arith.constant 0 : index
    %swap3A_71 = vector.load %arg12[%swap3A, %swap3A_70] : memref<2000x128xf32, #tpu.memory_space<vmem>>, vector<2000x128xf32>
    tpu.vector_store %arg12[%swap3A, %swap3A_70], %tanh3A_69 {strides = array<i32>} : memref<2000x128xf32, #tpu.memory_space<vmem>>, vector<2000x128xf32>,
    return
  }
  func.func @transform_0(%arg0: i32) -> (i32, i32) {
    %c0_i32 = arith.constant 0 : i32
    %c0_i32_0 = arith.constant 0 : i32
    %c0_i32_1 = arith.constant 0 : i32
    return %c0_i32, %c0_i32_0 : i32, i32
  }
  func.func @transform_1(%arg0: i32) -> (i32, i32) {
    %c0_i32 = arith.constant 0 : i32
    %c0_i32_0 = arith.constant 0 : i32
    return %arg0, %c0_i32 : i32, i32
  }
  func.func @transform_2(%arg0: i32) -> (i32, i32, i32) {
    %c0_i32 = arith.constant 0 : i32
    %c0_i32_0 = arith.constant 0 : i32
    %c0_i32_1 = arith.constant 0 : i32
    return %c0_i32, %arg0, %c0_i32_0 : i32, i32, i32
  }
  func.func @transform_3(%arg0: i32) -> (i32, i32) {
    %c0_i32 = arith.constant 0 : i32
    %c0_i32_0 = arith.constant 0 : i32
    %c0_i32_1 = arith.constant 0 : i32
    return %c0_i32, %c0_i32_0 : i32, i32
  }
  func.func @transform_4(%arg0: i32) -> (i32, i32) {
    %c0_i32 = arith.constant 0 : i32
    %c0_i32_0 = arith.constant 0 : i32
    %c0_i32_1 = arith.constant 0 : i32
    return %c0_i32, %c0_i32_0 : i32, i32
  }
  func.func @transform_5(%arg0: i32) -> (i32, i32) {
    %c0_i32 = arith.constant 0 : i32
    %c0_i32_0 = arith.constant 0 : i32
    %c0_i32_1 = arith.constant 0 : i32
    return %c0_i32, %c0_i32_0 : i32, i32
  }
  func.func @transform_6(%arg0: i32) -> (i32, i32) {
    %c0_i32 = arith.constant 0 : i32
    %c0_i32_0 = arith.constant 0 : i32
    %c0_i32_1 = arith.constant 0 : i32
    return %c0_i32, %c0_i32_0 : i32, i32
  }
  func.func @transform_7(%arg0: i32) -> (i32, i32) {
    %c0_i32 = arith.constant 0 : i32
    %c0_i32_0 = arith.constant 0 : i32
    %c0_i32_1 = arith.constant 0 : i32
    return %c0_i32, %c0_i32_0 : i32, i32
  }
  func.func @transform_8(%arg0: i32) -> (i32, i32) {
    %c0_i32 = arith.constant 0 : i32
    %c0_i32_0 = arith.constant 0 : i32
    %c0_i32_1 = arith.constant 0 : i32
    return %c0_i32, %c0_i32_0 : i32, i32
  }
  func.func @transform_9(%arg0: i32) -> (i32, i32) {
    %c0_i32 = arith.constant 0 : i32
    %c0_i32_0 = arith.constant 0 : i32
    %c0_i32_1 = arith.constant 0 : i32
    return %c0_i32, %c0_i32_0 : i32, i32
  }
  func.func @transform_10(%arg0: i32) -> (i32, i32) {
    %c0_i32 = arith.constant 0 : i32
    %c0_i32_0 = arith.constant 0 : i32
    %c0_i32_1 = arith.constant 0 : i32
    return %c0_i32, %c0_i32_0 : i32, i32
  }
  func.func @transform_11(%arg0: i32) -> (i32, i32) {
    %c0_i32 = arith.constant 0 : i32
    %c0_i32_0 = arith.constant 0 : i32
    return %arg0, %c0_i32 : i32, i32
  }
}

</mosaic_0001>

<sc_bundles>
// kernel: kernel.6.cloned.1.call-start
scs
__scs_entry_jumppad:
0x0: {  	(pc) =	sbr.rel $0x88, $3  }
0x1: {  	(tag) =	ssettag $0x0;
	lr =	simm.s32 $0x1  }
0x2: {  	[smem:$0x3F8F] =	sst lr;
	_ =	strace $0xD0000000  }
0x3: {  	_ = 	snop  }
0x4: {  	_ = 	snop  }
0x5: {  	_ = 	snop  }
0x6: {  	_ = 	snop  }
0x7: {  	_ = 	snop  }
__scs_overlays_trampoline_lowered:
0x8: {  	[smem:$0x3F9E] =	sst s0  }
0x9: {  	[smem:$0x3F9F] =	sst s1  }
0xa: {  	[smem:$0x3FA0] =	sst s2  }
0xb: {  	[smem:$0x3FA1] =	sst s3  }
0xc: {  	[smem:$0x3FA2] =	sst s4  }
0xd: {  	[smem:$0x3FA3] =	sst s5  }
0xe: {  	[smem:$0x3FA4] =	sst s6  }
0xf: {  	[smem:$0x3FA5] =	sst s7  }
0x10: {  	[smem:$0x3FA6] =	sst s8  }
0x11: {  	[smem:$0x3FA7] =	sst s9;
	s0 =	simm.s32 @!p0 $0x0  }
0x12: {  	s1 =	sld [smem:$0x3F8D];
	s0 =	simm.s32 @p0 $0x1  }
0x13: {  	[smem:$0x3FA8] =	sst s0;
	s0 =	simm.s32 @!p1 $0x0  }
0x14: {  	s2 =	sld [smem:$0x3F8C];
	s0 =	simm.s32 @p1 $0x1  }
0x15: {  	[smem:$0x3FA9] =	sst s0;
	s0 =	simm.s32 @!p2 $0x0  }
0x16: {  	s3 =	sld [smem:$0x3FDB];
	s0 =	simm.s32 @p2 $0x1  }
0x17: {  	s4 =	simm.s32 $0x1BF5;
	[smem:$0x3FAB] =	sst s0  }
0x18: {  	s0 =	sld [smem:$0x3F8E];
	_ =	swait.ge [sflag:s4], $0x0  }
0x19: {  	s7 =	sld [smem:$0x3F8F]  }
0x1a: {  	s8 =	sadd.s32 $0xFFFFE003, lr  }
0x1b: {  	s9 =	sadd.s32 $0xFFFFFEF7, lr;
	s5 =	simm.s32 $0xFFFFFFFF;
	p2 =	slt.u32 s8, $0xFFFFF086  }
0x1c: {  	p1 =	slt.u32 s9, $0xF7A;
	s5 =	simm.s32 @!p2 $0x0  }
0x1d: {  	s5 =	simm.s32 @p1 $0x1;
	p0 =	seq.s32 s7, s2  }
0x1e: {  	s7 =	smul.u32 @!p0 $0xF7A, s2;
	p2 =	seq.s32 @!p0 s5, $0x0  }
0x1f: {  	s9 =	smul.u32 $0xF7A, s1;
	s8 =	simm.s32 @!p0 $0x1BF5;
	p2 =	por !p2, p0  }
0x20: {  	[sflag:s8] =	ssyncset.s32 @!p0 $0xFFFFF086;
	s6 =	sadd.s32 @!p0 s3, s7;
	s7 =	simm.s32 @!p0 $0x108  }
0x21: {  	s3 =	sadd.s32 s3, s9;
	s6 =	sadd.s32 @!p0 $0x88, s6;
	s7 =	simm.s32 @p2 $0x1082  }
0x22: {  	[simem:s7], [sflag:s8] =	dma.local @!p0 [hbm:s6], $0xF7A  }
0x23: {  	s9 =	sor.u32 $0xD0000000, s2;
	s6 =	simm.s32 $0x108;
	_ =	swait.ge @!p0 [sflag:s8], $0x0  }
0x24: {  	s3 =	sadd.s32 $0x88, s3;
	s6 =	simm.s32 @!p1 $0x1082;
	[sflag:s4] =	ssyncset.s32 $0xFFFFF086  }
0x25: {  	[simem:s6], [sflag:s4] =	dma.local [hbm:s3], $0xF7A  }
0x26: {  	[smem:$0x3F8F] =	sst s1;
	(tag) =	ssettag s2;
	_ =	strace s9  }
0x27: {  	s1 =	sld [smem:$0x3F9F]  }
0x28: {  	s2 =	sld [smem:$0x3FA0]  }
0x29: {  	s4 =	sld [smem:$0x3FA2]  }
0x2a: {  	p0 =	seq.s32 s5, $0x0;
	s5 =	sld [smem:$0x3FA3]  }
0x2b: {  	s6 =	sld [smem:$0x3FA4]  }
0x2c: {  	s7 =	sld [smem:$0x3FA5]  }
0x2d: {  	s3 =	simm.s32 $0x108;
	s8 =	sld [smem:$0x3FA6]  }
0x2e: {  	s3 =	simm.s32 @!p0 $0x1082;
	s9 =	sld [smem:$0x3FA7]  }
0x2f: {  	lr =	sadd.s32 s0, s3;
	s0 =	sld [smem:$0x3F9E]  }
0x30: {  	s3 =	sld [smem:$0x3FA1]  }
0x31: {  	[smem:$0x3FAA] =	sst s10  }
0x32: {  	s10 =	sld [smem:$0x3FA8];
	_ =	sdelay $0x3  }
0x33: {  	p0 =	seq.s32 s10, $0x1;
	s10 =	sld [smem:$0x3FAA];
	_ =	sdelay $0x3  }
0x34: {  	[smem:$0x3FAA] =	sst s10  }
0x35: {  	s10 =	sld [smem:$0x3FA9];
	_ =	sdelay $0x3  }
0x36: {  	p1 =	seq.s32 s10, $0x1;
	s10 =	sld [smem:$0x3FAA];
	_ =	sdelay $0x3  }
0x37: {  	[smem:$0x3FAA] =	sst s10  }
0x38: {  	s10 =	sld [smem:$0x3FAB]  }
0x39: {  	_ = 	snop;
	(pc) =	sbr.ind lr, $3  }
0x3a: {  	_ = 	snop  }
0x3b: {  	_ = 	snop  }
0x3c: {  	p2 =	seq.s32 s10, $0x1;
	s10 =	sld [smem:$0x3FAA]  }
0x3d: {  	_ =	shalt  }
0x3e: {  	_ =	shalt  }
0x3f: {  	_ =	shalt  }
0x40: {  	_ =	shalt  }
0x41: {  	_ =	shalt  }
0x42: {  	_ =	shalt  }
0x43: {  	_ =	shalt  }
0x44: {  	_ =	shalt  }
0x45: {  	_ =	shalt  }
0x46: {  	_ =	shalt  }
0x47: {  	_ =	shalt  }
0x48: {  	_ =	shalt  }
0x49: {  	_ =	shalt  }
0x4a: {  	_ =	shalt  }
0x4b: {  	_ =	shalt  }
0x4c: {  	_ =	shalt  }
0x4d: {  	_ =	shalt  }
0x4e: {  	_ =	shalt  }
0x4f: {  	_ =	shalt  }
0x50: {  	_ =	shalt  }
0x51: {  	_ =	shalt  }
0x52: {  	_ =	shalt  }
0x53: {  	_ =	shalt  }
0x54: {  	_ =	shalt  }
0x55: {  	_ =	shalt  }
0x56: {  	_ =	shalt  }
0x57: {  	_ =	shalt  }
0x58: {  	_ =	shalt  }
0x59: {  	_ =	shalt  }
0x5a: {  	_ =	shalt  }
0x5b: {  	_ =	shalt  }
0x5c: {  	_ =	shalt  }
0x5d: {  	_ =	shalt  }
0x5e: {  	_ =	shalt  }
0x5f: {  	_ =	shalt  }
0x60: {  	_ =	shalt  }
0x61: {  	_ =	shalt  }
0x62: {  	_ =	shalt  }
0x63: {  	_ =	shalt  }
0x64: {  	_ =	shalt  }
0x65: {  	_ =	shalt  }
0x66: {  	_ =	shalt  }
0x67: {  	_ =	shalt  }
0x68: {  	_ =	shalt  }
0x69: {  	_ =	shalt  }
0x6a: {  	_ =	shalt  }
0x6b: {  	_ =	shalt  }
0x6c: {  	_ =	shalt  }
0x6d: {  	_ =	shalt  }
0x6e: {  	_ =	shalt  }
0x6f: {  	_ =	shalt  }
0x70: {  	_ =	shalt  }
0x71: {  	_ =	shalt  }
0x72: {  	_ =	shalt  }
0x73: {  	_ =	shalt  }
0x74: {  	_ =	shalt  }
0x75: {  	_ =	shalt  }
0x76: {  	_ =	shalt  }
0x77: {  	_ =	shalt  }
0x78: {  	_ =	shalt  }
0x79: {  	_ =	shalt  }
0x7a: {  	_ =	shalt  }
0x7b: {  	_ =	shalt  }
0x7c: {  	_ =	shalt  }
0x7d: {  	_ =	shalt  }
0x7e: {  	_ =	shalt  }
0x7f: {  	_ =	shalt  }
0x80: {  	_ =	shalt  }
0x81: {  	_ =	shalt  }
0x82: {  	_ =	shalt  }
0x83: {  	_ =	shalt  }
0x84: {  	_ =	shalt  }
0x85: {  	_ =	shalt  }
0x86: {  	_ =	shalt  }
0x87: {  	_ =	shalt  }
.Lfunc_end0:
.L_simem_size_0:
called_computation_lowered:
.L_overlay_start_0:
0x88: {  	s2 =	sld [smem:$0x3FD9]  }
0x89: {  	s3 =	sld [smem:$0x3FFE];
	_ =	sdelay $0x1  }
0x8a: {  	s1 =	srdreg.scid  }
0x8b: {  	s0 =	sand.u32 $0x1, s1  }
0x8c: {  	s17 =	sshll.u32 s0, $0xA;
	s2 =	sadd.s32 s3, s2  }
0x8d: {  	s2 =	sadd.s32 s2, s17  }
0x8e: {  	[smem:$0x3FB6] =	sst s2  }
0x8f: {  	_ = 	snop  }
0x90: {  	s2 =	sld [smem:$0x3FC9];
	(tm) =	ssettm $0x1  }
0x91: {  	s18 =	sld [smem:$0x3FFB];
	_ =	sdelay $0x3  }
0x92: {  	_ =	strace s18  }
0x93: {  	s3 =	sld [smem:$0x3FFC];
	_ =	sdelay $0x3  }
0x94: {  	_ =	strace s3  }
0x95: {  	s3 =	sld [smem:$0x3FFD];
	_ =	sdelay $0x3  }
0x96: {  	_ =	strace s3  }
0x97: {  	_ =	strace $0x8FFFFFFF  }
0x98: {  	s19 =	sld [smem:$0x3FDB];
	_ =	sdelay $0x1  }
0x99: {  	s4 =	simm.s32 $_scs_section_size  }
0x9a: {  	s5 =	simm.s32 $_size__tile_overlayer_lowered;
	s6 =	simm.s32 $_tile_overlayer_lowered  }
0x9b: {  	s22 =	simm.s32 $0x1BFF;
	s21 =	sshll.u32 s6, $0x1;
	s3 =	sadd.s32 s4, s19  }
0x9c: {  	s7 =	simm.s32 $0x0;
	s20 =	sshll.u32 s5, $0x1;
	s5 =	sadd.s32 s21, s3  }
0x9d: {  	[timem:s7], [sflag:s22] =	dma.local [hbm:s5], s20  }
0x9e: {  	_ =	swait.ge [sflag:s22], s20  }
0x9f: {  	s4 =	ssub.s32 $0x0, s20;
	[sflag:s22] =	ssyncset.done $0x0  }
0xa0: {  	[sflag:s22] =	ssyncadd.s32 s4;
	_ =	sdelay $0x1  }
0xa1: {  	s23 =	simm.s32 $0x1B8B  }
0xa2: {  	_ =	swait.ge [sflag:s23], $0x1  }
0xa3: {  	[sflag:s23] =	ssyncset.done $0x0  }
0xa4: {  	s25 =	simm.s32 $0x1B8E;
	s24 =	sld [smem:$0x3FFE];
	[sflag:s23] =	ssyncadd.s32 $0xFFFFFFFF  }
0xa5: {  	s26 =	simm.s32 $execute0_lowered;
	[smem:$0x3FD2] =	sst s25  }
0xa6: {  	s5 =	sshll.u32 s26, $0x1;
	_ =	strace $0x80000046;
	[dreg:$0x1] =	wrdreg $0xFFFFFFFF  }
0xa7: {  	s28 =	simm.s32 $_size_execute0_lowered;
	s3 =	sadd.s32 s3, s5;
	[dreg:$0x0] =	wrdreg $0x0  }
0xa8: {  	s5 =	sshll.u32 s28, $0x1;
	[dreg:$0x2] =	wrdreg s3  }
0xa9: {  	[dreg:$0x3] =	wrdreg s5  }
0xaa: {  	[dreg:$0x4] =	wrdreg $0xC0  }
0xab: {  	_ =	task [dreg:s7], $0x5FFFF  }
0xac: {  	[dreg:$0x1] =	wrdreg $0xFFFFFFFF  }
0xad: {  	[dreg:$0x0] =	wrdreg $0x60  }
0xae: {  	[dreg:$0x2] =	wrdreg s2  }
0xaf: {  	[dreg:$0x3] =	wrdreg s24  }
0xb0: {  	[dreg:$0x4] =	wrdreg $0xA8000  }
0xb1: {  	[dreg:$0x5] =	wrdreg $0x9  }
0xb2: {  	_ =	task.clear_ibuf [dreg:s7], $0x6FFFF;
	_ =	strace $0x90000046  }
0xb3: {  	s29 =	simm.s32 $0x9;
	_ =	strace $0x80000048  }
0xb4: {  	_ =	swait.ge [sflag:s29], $0x1  }
0xb5: {  	[sflag:s29] =	ssyncadd.s32 $0xFFFFFFFF  }
0xb6: {  	_ =	strace $0x90000048  }
0xb7: {  	_ =	sfence  }
0xb8: {  	s30 =	sld [smem:$0x0];
	_ =	sdelay $0x2  }
0xb9: {  	s31 =	sshll.u32 s1, $0xD;
	s1 =	sshrl.u32 s1, $0x2  }
0xba: {  	s3 =	sand.u32 $0x4000, s31;
	s1 =	sadd.s32 s1, s30  }
0xbb: {  	s0 =	sor.u32 s3, s0;
	s1 =	sshll.u32 s1, $0x11  }
0xbc: {  	s0 =	sor.u32 s1, s0  }
0xbd: {  	s0 =	sadd.s32 $0x8F2B, s0  }
0xbe: {  	[sflag:s0] =	ssyncadd.remote.s32 $0x1  }
0xbf: {  	_ =	sfence.sel $0xFFFF  }
0xc0: {  	[dreg:$0x0] =	wrdreg $0xFFFFFFFF;
	(pc) =	sbr.abs _section_cstart, $3  }
0xc1: {  	[dreg:$0x1] =	wrdreg $0xFFFFFFFF  }
0xc2: {  	_ =	task.clear_ibuf [dreg:s7], $0x2FFFF;
	_ =	strace $0x9FFFFFFF  }
0xc3: {  	(tm) =	ssettm $0x7FFFFFFF  }
tec
execute0_lowered:
.L_overlay_start_1:
0x0: {  	(tag) =	ssettag $0x1  }
0x1: {  	s1 =	rddreg [dreg:$0x0]  }
0x2: {  	s6 =	rddreg [dreg:$0x1]  }
0x3: {  	s2 =	rddreg [dreg:$0x2]  }
0x4: {  	s3 =	simm.s32 $0x0;
	s4 =	srdreg.scid;
	s0 =	stileid.u32  }
0x5: {  	s20 =	simm.s32 $0x7D;
	s21 =	simm.s32 $0x2800;
	s28 =	simm.s32 $0x2780  }
0x6: {  	s29 =	simm.s32 $0x0;
	[smem:$0x7FF] =	sst s3;
	s10 =	sadd.s32 $0xCC00, s6  }
0x7: {  	s11 =	sadd.s32 $0x2C00, s6;
	s5 =	sadd.s32 $0x16C00, s6;
	s8 =	sand.u32 $0x1, s4  }
0x8: {  	s13 =	smul.u32 $0x4E000, s0;
	s14 =	sadd.s32 $0x19400, s6;
	s6 =	sshll.u32 s0, $0x6  }
0x9: {  	s17 =	sadd.s32 $0x138000, s2;
	s19 =	smul.u32 $0x13800, s0;
	p0 =	sne.s32 s0, $0xF  }
0xa: {  	_ =	strace $0x80000047;
	s7 =	ssub.s32 $0x2, s8;
	s9 =	sshll.u32 s8, $0x4  }
0xb: {  	s24 =	sor.u32 $0x1C03, s6;
	s25 =	smul.u32 $0x138800, s8;
	s12 =	sshrl.u32 s7, $0x1  }
0xc: {  	s9 =	sor.u32 s0, s9;
	s23 =	sshrl.u32 s13, $0x2;
	[dreg:$0x4] =	wrdreg s24  }
0xd: {  	s24 =	simm.s32 $0x2;
	s15 =	ssub.s32 s7, s12;
	s22 =	smul.u32 $0x500, s9  }
0xe: {  	s9 =	smul.u32 $0x2800, s9;
	s16 =	sadd.s32 s23, s2;
	s30 =	sadd.s32 s19, s25  }
0xf: {  	s13 =	sshrl.u32 s25, $0x3;
	s19 =	simm.s32 $0x3;
	s23 =	simm.s32 $0x1  }
0x10: {  	s25 =	simm.s32 $0x1380;
	s31 =	sshrl.u32 s30, $0x3;
	s13 =	sadd.s32 s14, s13  }
0x11: {  	s18 =	sshrl.u32 s9, $0x3;
	s8 =	sadd.s32 s10, s22;
	s9 =	sadd.s32 s11, s22  }
0x12: {  	s12 =	sadd.s32 s14, s31;
	s13 =	sadd.s32 $0x27000, s13;
	s14 =	smax.u32 s15, $0x1  }
0x13: {  	s15 =	sshrl.u32 s16, $0x3;
	s16 =	sshrl.u32 @!p0 s17, $0x3;
	s17 =	simm.s32 $0x4  }
0x14: {  	s22 =	simm.s32 $0x6800;
	s26 =	sadd.s32 $0x280, s18;
	s18 =	simm.s32 $0x1400  }
0x15: {  	s10 =	sadd.s32 s10, s26;
	s11 =	sadd.s32 s11, s26;
	s26 =	simm.s32 $0x2700  }
.LBB2_1:
0x16: {  	s0 =	rddreg [dreg:$0x4];
	s30 =	simm.s32 @!p0 $0x1FC4  }
0x17: {  	[spmem:s15], [sflag:s0] =	dma.local [hbm:s5], $0x2700  }
0x18: {  	[spmem:s16], [sflag:s30] =	dma.local @!p0 [hbm:s5], $0x100  }
0x19: {  	s30 =	simm.s32 @!p0 $0x4  }
0x1a: {  	_ =	swait.ge @!p0 [sflag:s30], $0x100  }
0x1b: {  	[sflag:s30] =	ssyncset.done @!p0 $0x0  }
0x1c: {  	[sflag:s30] =	ssyncadd.s32 @!p0 $0xFFFFFF00  }
0x1d: {  	[tilespmem:s3], [sflag:$0x4] =	stream.linear.gather [hbm4b:s8+s3], $0x1400, $0x38;
	[tilespmem:$0x1E080] =	vst v63  }
0x1e: {  	_ =	swait.ge [sflag:s17], $0x1400  }
0x1f: {  	[sflag:s17] =	ssyncset.done $0x0  }
0x20: {  	[sflag:s17] =	ssyncadd.s32 $0xFFFFEC00  }
0x21: {  	[tilespmem:s18], [sflag:$0x4] =	stream.linear.gather [hbm4b:s9+s3], $0x1400, $0x38;
	[tilespmem:$0x1E080] =	vst v63  }
0x22: {  	_ =	swait.ge [sflag:s17], $0x1400  }
0x23: {  	[sflag:s17] =	ssyncset.done $0x0  }
0x24: {  	[sflag:s17] =	ssyncadd.s32 $0xFFFFEC00  }
0x25: {  	_ =	swait.ge [sflag:s19], $0x2700  }
0x26: {  	[sflag:s19] =	ssyncset.done $0x0  }
0x27: {  	[sflag:s19] =	ssyncadd.s32 $0xFFFFD900  }
0x28: {  	[bflag:$0x0] =	sbarrier.arrive $0xFFFF  }
0x29: {  	[tilespmem:s21], [sflag:$0x1] =	stream.indirect.gather [hbm4b:s1+s20], $0x80, s3, s20, $0xb8;
	[tilespmem:$0x1E080] =	vst v63  }
0x2a: {  	s30 =	simm.s32 $0x80  }
0x2b: {  	[tilespmem:s22], [sflag:$0x2] =	stream.indirect.gather [hbm4b:s1+s20], $0x80, s30, s20, $0xb8;
	[tilespmem:$0x1E080] =	vst v63  }
0x2c: {  	_ =	swait.ge [sflag:s23], $0x3E80  }
0x2d: {  	[sflag:s23] =	ssyncset.done $0x0  }
0x2e: {  	s30 =	simm.s32 $0x1400;
	[sflag:s23] =	ssyncadd.s32 $0xFFFFC180  }
0x2f: {  	[spmem:s2] =	stream.indirect.scatter.add.f32 [tilespmem:s21], [sflag:$0x4], $0x80, s30, s20, $0xb8;
	[tilespmem:$0x1E080] =	vst v63  }
0x30: {  	_ =	swait.ge [sflag:s17], $0x3E80  }
0x31: {  	[sflag:s17] =	ssyncset.done $0x0  }
0x32: {  	s30 =	simm.s32 $0x100;
	[sflag:s17] =	ssyncadd.s32 $0xFFFFC180  }
0x33: {  	[tilespmem:s21], [sflag:$0x1] =	stream.indirect.gather [hbm4b:s1+s20], $0x80, s30, s20, $0xb8;
	[tilespmem:$0x1E080] =	vst v63  }
0x34: {  	_ =	swait.ge [sflag:s24], $0x3E80  }
0x35: {  	[sflag:s24] =	ssyncset.done $0x0  }
0x36: {  	s30 =	simm.s32 $0x1480;
	[sflag:s24] =	ssyncadd.s32 $0xFFFFC180  }
0x37: {  	[spmem:s2] =	stream.indirect.scatter.add.f32 [tilespmem:s22], [sflag:$0x4], $0x80, s30, s20, $0xb8;
	[tilespmem:$0x1E080] =	vst v63  }
0x38: {  	_ =	swait.ge [sflag:s17], $0x3E80  }
0x39: {  	s31 =	simm.s32 $0x800;
	s30 =	simm.s32 $0x100;
	[sflag:s17] =	ssyncset.done $0x0  }
.LBB2_2:
0x3a: {  	s0 =	sadd.s32 $0x80, s30  }
0x3b: {  	[sflag:s17] =	ssyncadd.s32 $0xFFFFC180;
	s4 =	smov.u32 s31;
	s7 =	sadd.s32 $0x400, s31  }
0x3c: {  	[tilespmem:s22], [sflag:$0x2] =	stream.indirect.gather [hbm4b:s1+s20], $0x80, s0, s20, $0xb8;
	[tilespmem:$0x1E080] =	vst v63  }
0x3d: {  	p1 =	sne.s32 s31, $0x4800;
	_ =	swait.ge [sflag:s23], $0x3E80  }
0x3e: {  	[sflag:s23] =	ssyncset.done $0x0  }
0x3f: {  	s0 =	sadd.s32 $0x1400, s30;
	[sflag:s23] =	ssyncadd.s32 $0xFFFFC180  }
0x40: {  	[spmem:s2] =	stream.indirect.scatter.add.f32 [tilespmem:s21], [sflag:$0x4], $0x80, s0, s20, $0xb8;
	[tilespmem:$0x1E080] =	vst v63  }
0x41: {  	_ =	swait.ge [sflag:s17], $0x3E80  }
0x42: {  	[sflag:s17] =	ssyncset.done $0x0  }
0x43: {  	s0 =	sadd.s32 $0x100, s30;
	[sflag:s17] =	ssyncadd.s32 $0xFFFFC180  }
0x44: {  	[tilespmem:s21], [sflag:$0x1] =	stream.indirect.gather [hbm4b:s1+s20], $0x80, s0, s20, $0xb8;
	[tilespmem:$0x1E080] =	vst v63  }
0x45: {  	_ =	swait.ge [sflag:s24], $0x3E80  }
.Ltmp0:
0x46: {  	[sflag:s24] =	ssyncset.done $0x0;
	(pc) =	sbr.rel @p1 .LBB2_2-.Ltmp0, $4  }
0x47: {  	s0 =	sadd.s32 $0x1480, s30;
	[sflag:s24] =	ssyncadd.s32 $0xFFFFC180  }
0x48: {  	[spmem:s2] =	stream.indirect.scatter.add.f32 [tilespmem:s22], [sflag:$0x4], $0x80, s0, s20, $0xb8;
	[tilespmem:$0x1E080] =	vst v63  }
0x49: {  	_ =	swait.ge [sflag:s17], $0x3E80  }
0x4a: {  	s31 =	smov.u32 s7;
	s30 =	sshra.s32 s4, $0x2;
	[sflag:s17] =	ssyncset.done $0x0  }
0x4b: {  	s0 =	sadd.s32 $0x80, s30;
	[sflag:s17] =	ssyncadd.s32 $0xFFFFC180  }
0x4c: {  	[tilespmem:s22], [sflag:$0x2] =	stream.indirect.gather [hbm4b:s1+s20], $0x80, s0, s20, $0xb8;
	[tilespmem:$0x1E080] =	vst v63  }
0x4d: {  	_ =	swait.ge [sflag:s23], $0x3E80  }
0x4e: {  	[sflag:s23] =	ssyncset.done $0x0  }
0x4f: {  	s4 =	sadd.s32 $0x1400, s30;
	[sflag:s23] =	ssyncadd.s32 $0xFFFFC180  }
0x50: {  	[spmem:s2] =	stream.indirect.scatter.add.f32 [tilespmem:s21], [sflag:$0x4], $0x80, s4, s20, $0xb8;
	[tilespmem:$0x1E080] =	vst v63  }
0x51: {  	_ =	swait.ge [sflag:s17], $0x3E80  }
0x52: {  	[sflag:s17] =	ssyncset.done $0x0  }
0x53: {  	s7 =	sadd.s32 $0x100, s30;
	[sflag:s17] =	ssyncadd.s32 $0xFFFFC180  }
0x54: {  	[tilespmem:s21], [sflag:$0x1] =	stream.indirect.gather [hbm4b:s1+s20], $0x80, s7, s20, $0xb8;
	[tilespmem:$0x1E080] =	vst v63  }
0x55: {  	_ =	swait.ge [sflag:s24], $0x3E80  }
0x56: {  	[sflag:s24] =	ssyncset.done $0x0  }
0x57: {  	s4 =	sadd.s32 $0x1480, s30;
	[sflag:s24] =	ssyncadd.s32 $0xFFFFC180  }
0x58: {  	[spmem:s2] =	stream.indirect.scatter.add.f32 [tilespmem:s22], [sflag:$0x4], $0x80, s4, s20, $0xb8;
	[tilespmem:$0x1E080] =	vst v63  }
0x59: {  	_ =	swait.ge [sflag:s17], $0x3E80  }
0x5a: {  	[sflag:s17] =	ssyncset.done $0x0  }
0x5b: {  	[sflag:s17] =	ssyncadd.s32 $0xFFFFC180  }
0x5c: {  	[tilespmem:s22], [sflag:$0x2] =	stream.indirect.gather [hbm4b:s1+s20], $0x80, s25, s20, $0xb8;
	[tilespmem:$0x1E080] =	vst v63  }
0x5d: {  	_ =	swait.ge [sflag:s23], $0x3E80  }
0x5e: {  	[sflag:s23] =	ssyncset.done $0x0  }
0x5f: {  	[sflag:s23] =	ssyncadd.s32 $0xFFFFC180  }
0x60: {  	[spmem:s2] =	stream.indirect.scatter.add.f32 [tilespmem:s21], [sflag:$0x4], $0x80, s26, s20, $0xb8;
	[tilespmem:$0x1E080] =	vst v63  }
0x61: {  	_ =	swait.ge [sflag:s17], $0x3E80  }
0x62: {  	[sflag:s17] =	ssyncset.done $0x0  }
0x63: {  	[sflag:s17] =	ssyncadd.s32 $0xFFFFC180  }
0x64: {  	_ =	swait.ge [sflag:s24], $0x3E80  }
0x65: {  	[sflag:s24] =	ssyncset.done $0x0  }
0x66: {  	[sflag:s24] =	ssyncadd.s32 $0xFFFFC180  }
0x67: {  	[spmem:s2] =	stream.indirect.scatter.add.f32 [tilespmem:s22], [sflag:$0x4], $0x80, s28, s20, $0xb8;
	[tilespmem:$0x1E080] =	vst v63  }
0x68: {  	_ =	swait.ge [sflag:s17], $0x3E80  }
0x69: {  	[sflag:s17] =	ssyncset.done $0x0  }
0x6a: {  	s7 =	simm.s32 $0x0;
	[sflag:s17] =	ssyncadd.s32 $0xFFFFC180  }
0x6b: {  	[tilespmem:s7], [sflag:$0x4] =	stream.linear.gather [hbm4b:s10+s7], $0x1400, $0x38;
	[tilespmem:$0x1E080] =	vst v63  }
0x6c: {  	_ =	swait.ge [sflag:s17], $0x1400  }
0x6d: {  	[sflag:s17] =	ssyncset.done $0x0  }
0x6e: {  	[sflag:s17] =	ssyncadd.s32 $0xFFFFEC00  }
0x6f: {  	[tilespmem:s18], [sflag:$0x4] =	stream.linear.gather [hbm4b:s11+s7], $0x1400, $0x38;
	[tilespmem:$0x1E080] =	vst v63  }
0x70: {  	_ =	swait.ge [sflag:s17], $0x1400  }
0x71: {  	[sflag:s17] =	ssyncset.done $0x0  }
0x72: {  	[sflag:s17] =	ssyncadd.s32 $0xFFFFEC00  }
0x73: {  	[tilespmem:s21], [sflag:$0x1] =	stream.indirect.gather [hbm4b:s1+s20], $0x80, s7, s20, $0xb8;
	[tilespmem:$0x1E080] =	vst v63  }
0x74: {  	s4 =	simm.s32 $0x80  }
0x75: {  	[tilespmem:s22], [sflag:$0x2] =	stream.indirect.gather [hbm4b:s1+s20], $0x80, s4, s20, $0xb8;
	[tilespmem:$0x1E080] =	vst v63  }
0x76: {  	_ =	swait.ge [sflag:s23], $0x3E80  }
0x77: {  	[sflag:s23] =	ssyncset.done $0x0  }
0x78: {  	s7 =	simm.s32 $0x1400;
	[sflag:s23] =	ssyncadd.s32 $0xFFFFC180  }
0x79: {  	[spmem:s2] =	stream.indirect.scatter.add.f32 [tilespmem:s21], [sflag:$0x4], $0x80, s7, s20, $0xb8;
	[tilespmem:$0x1E080] =	vst v63  }
0x7a: {  	_ =	swait.ge [sflag:s17], $0x3E80  }
0x7b: {  	[sflag:s17] =	ssyncset.done $0x0  }
0x7c: {  	s4 =	simm.s32 $0x100;
	[sflag:s17] =	ssyncadd.s32 $0xFFFFC180  }
0x7d: {  	[tilespmem:s21], [sflag:$0x1] =	stream.indirect.gather [hbm4b:s1+s20], $0x80, s4, s20, $0xb8;
	[tilespmem:$0x1E080] =	vst v63  }
0x7e: {  	_ =	swait.ge [sflag:s24], $0x3E80  }
0x7f: {  	[sflag:s24] =	ssyncset.done $0x0  }
0x80: {  	s7 =	simm.s32 $0x1480;
	[sflag:s24] =	ssyncadd.s32 $0xFFFFC180  }
0x81: {  	[spmem:s2] =	stream.indirect.scatter.add.f32 [tilespmem:s22], [sflag:$0x4], $0x80, s7, s20, $0xb8;
	[tilespmem:$0x1E080] =	vst v63  }
0x82: {  	_ =	swait.ge [sflag:s17], $0x3E80  }
0x83: {  	s31 =	simm.s32 $0x800;
	s30 =	simm.s32 $0x100;
	[sflag:s17] =	ssyncset.done $0x0  }
.LBB2_4:
0x84: {  	s0 =	sadd.s32 $0x80, s30  }
0x85: {  	[sflag:s17] =	ssyncadd.s32 $0xFFFFC180;
	s4 =	smov.u32 s31;
	s7 =	sadd.s32 $0x400, s31  }
0x86: {  	[tilespmem:s22], [sflag:$0x2] =	stream.indirect.gather [hbm4b:s1+s20], $0x80, s0, s20, $0xb8;
	[tilespmem:$0x1E080] =	vst v63  }
0x87: {  	p1 =	sne.s32 s31, $0x4800;
	_ =	swait.ge [sflag:s23], $0x3E80  }
0x88: {  	[sflag:s23] =	ssyncset.done $0x0  }
0x89: {  	s0 =	sadd.s32 $0x1400, s30;
	[sflag:s23] =	ssyncadd.s32 $0xFFFFC180  }
0x8a: {  	[spmem:s2] =	stream.indirect.scatter.add.f32 [tilespmem:s21], [sflag:$0x4], $0x80, s0, s20, $0xb8;
	[tilespmem:$0x1E080] =	vst v63  }
0x8b: {  	_ =	swait.ge [sflag:s17], $0x3E80  }
0x8c: {  	[sflag:s17] =	ssyncset.done $0x0  }
0x8d: {  	s0 =	sadd.s32 $0x100, s30;
	[sflag:s17] =	ssyncadd.s32 $0xFFFFC180  }
0x8e: {  	[tilespmem:s21], [sflag:$0x1] =	stream.indirect.gather [hbm4b:s1+s20], $0x80, s0, s20, $0xb8;
	[tilespmem:$0x1E080] =	vst v63  }
0x8f: {  	_ =	swait.ge [sflag:s24], $0x3E80  }
.Ltmp1:
0x90: {  	[sflag:s24] =	ssyncset.done $0x0;
	(pc) =	sbr.rel @p1 .LBB2_4-.Ltmp1, $4  }
0x91: {  	s0 =	sadd.s32 $0x1480, s30;
	[sflag:s24] =	ssyncadd.s32 $0xFFFFC180  }
0x92: {  	[spmem:s2] =	stream.indirect.scatter.add.f32 [tilespmem:s22], [sflag:$0x4], $0x80, s0, s20, $0xb8;
	[tilespmem:$0x1E080] =	vst v63  }
0x93: {  	_ =	swait.ge [sflag:s17], $0x3E80  }
0x94: {  	s31 =	smov.u32 s7;
	s30 =	sshra.s32 s4, $0x2;
	[sflag:s17] =	ssyncset.done $0x0  }
0x95: {  	s0 =	sadd.s32 $0x80, s30;
	[sflag:s17] =	ssyncadd.s32 $0xFFFFC180  }
0x96: {  	[tilespmem:s22], [sflag:$0x2] =	stream.indirect.gather [hbm4b:s1+s20], $0x80, s0, s20, $0xb8;
	[tilespmem:$0x1E080] =	vst v63  }
0x97: {  	_ =	swait.ge [sflag:s23], $0x3E80  }
0x98: {  	[sflag:s23] =	ssyncset.done $0x0  }
0x99: {  	s4 =	sadd.s32 $0x1400, s30;
	[sflag:s23] =	ssyncadd.s32 $0xFFFFC180  }
0x9a: {  	[spmem:s2] =	stream.indirect.scatter.add.f32 [tilespmem:s21], [sflag:$0x4], $0x80, s4, s20, $0xb8;
	[tilespmem:$0x1E080] =	vst v63  }
0x9b: {  	_ =	swait.ge [sflag:s17], $0x3E80  }
0x9c: {  	[sflag:s17] =	ssyncset.done $0x0  }
0x9d: {  	s7 =	sadd.s32 $0x100, s30;
	[sflag:s17] =	ssyncadd.s32 $0xFFFFC180  }
0x9e: {  	[tilespmem:s21], [sflag:$0x1] =	stream.indirect.gather [hbm4b:s1+s20], $0x80, s7, s20, $0xb8;
	[tilespmem:$0x1E080] =	vst v63  }
0x9f: {  	_ =	swait.ge [sflag:s24], $0x3E80  }
0xa0: {  	[sflag:s24] =	ssyncset.done $0x0  }
0xa1: {  	s31 =	sadd.s32 $0x1480, s30;
	[sflag:s24] =	ssyncadd.s32 $0xFFFFC180  }
0xa2: {  	[spmem:s2] =	stream.indirect.scatter.add.f32 [tilespmem:s22], [sflag:$0x4], $0x80, s31, s20, $0xb8;
	[tilespmem:$0x1E080] =	vst v63  }
0xa3: {  	_ =	swait.ge [sflag:s17], $0x3E80  }
0xa4: {  	[sflag:s17] =	ssyncset.done $0x0  }
0xa5: {  	[sflag:s17] =	ssyncadd.s32 $0xFFFFC180  }
0xa6: {  	[tilespmem:s22], [sflag:$0x2] =	stream.indirect.gather [hbm4b:s1+s20], $0x80, s25, s20, $0xb8;
	[tilespmem:$0x1E080] =	vst v63  }
0xa7: {  	_ =	swait.ge [sflag:s23], $0x3E80  }
0xa8: {  	[sflag:s23] =	ssyncset.done $0x0  }
0xa9: {  	[sflag:s23] =	ssyncadd.s32 $0xFFFFC180  }
0xaa: {  	[spmem:s2] =	stream.indirect.scatter.add.f32 [tilespmem:s21], [sflag:$0x4], $0x80, s26, s20, $0xb8;
	[tilespmem:$0x1E080] =	vst v63  }
0xab: {  	_ =	swait.ge [sflag:s17], $0x3E80  }
0xac: {  	[sflag:s17] =	ssyncset.done $0x0  }
0xad: {  	[sflag:s17] =	ssyncadd.s32 $0xFFFFC180  }
0xae: {  	_ =	swait.ge [sflag:s24], $0x3E80  }
0xaf: {  	[sflag:s24] =	ssyncset.done $0x0  }
0xb0: {  	[sflag:s24] =	ssyncadd.s32 $0xFFFFC180  }
0xb1: {  	[spmem:s2] =	stream.indirect.scatter.add.f32 [tilespmem:s22], [sflag:$0x4], $0x80, s28, s20, $0xb8;
	[tilespmem:$0x1E080] =	vst v63  }
0xb2: {  	_ =	swait.ge [sflag:s17], $0x3E80  }
0xb3: {  	[sflag:s17] =	ssyncset.done $0x0  }
0xb4: {  	[sflag:s17] =	ssyncadd.s32 $0xFFFFC180  }
0xb5: {  	s0 =	sor.u32 $0x1C04, s6;
	[bflag:$0x0] =	sbarrier.arrive $0xFFFF  }
0xb6: {  	[hbm:s12], [sflag:s0] =	dma.local [spmem:s15], $0x2700  }
0xb7: {  	_ =	swait.ge [sflag:s17], $0x2700  }
0xb8: {  	s29 =	sadd.s32 $0x1, s29;
	[sflag:s17] =	ssyncset.done $0x0  }
0xb9: {  	p1 =	sne.s32 s29, s14;
	[sflag:s17] =	ssyncadd.s32 $0xFFFFD900  }
0xba: {  	[hbm:s13], [sflag:s0] =	dma.local @!p0 [spmem:s16], $0x100  }
.Ltmp2:
0xbb: {  	_ = 	snop;
	(pc) =	sbr.rel @p1 .LBB2_1-.Ltmp2, $4  }
0xbc: {  	s0 =	simm.s32 @!p0 $0x4  }
0xbd: {  	_ =	swait.ge @!p0 [sflag:s0], $0x100  }
0xbe: {  	[sflag:s0] =	ssyncset.done @!p0 $0x0  }
0xbf: {  	[sflag:s0] =	ssyncadd.s32 @!p0 $0xFFFFFF00  }
0xc0: {  	_ =	sfence.sel $0x180000  }
0xc1: {  	[bflag:$0x0] =	sbarrier.arrive $0xFFFF  }
0xc2: {  	_ =	strace $0x90000047  }
0xc3: {  	s0 =	stileid.u32;
	[bflag:$0x2] =	sbarrier.arrive $0xFFFF  }
0xc4: {  	p0 =	sne.s32 s0, $0x0;
	s0 =	rddreg [dreg:$0x3]  }
0xc5: {  	s0 =	sadd.s32 @!p0 $0x100000, s0  }
0xc6: {  	[sflag:s0] =	ssyncadd.tile.s32 @!p0 $0x1;
	_ =	shalt  }
.Lfunc_end2:
_tile_overlayer_lowered:
.L_overlay_start_2:
0xc7: {  	(tag) =	ssettag $0x2  }
0xc8: {  	s0 =	rddreg [dreg:$0x0];
	s2 =	stileid.u32  }
0xc9: {  	s1 =	rddreg [dreg:$0x1];
	p0 =	sne.s32 s2, $0x0  }
0xca: {  	s3 =	rddreg [dreg:$0x2];
	[bflag:$0x3] =	sbarrier.arrive $0xFFFF;
	s2 =	simm.s32 @!p0 $0x1C04  }
0xcb: {  	[timem:s3], [sflag:s2] =	dma.local @!p0 [hbm:s0], s1  }
0xcc: {  	s0 =	simm.s32 @!p0 $0x4  }
0xcd: {  	_ =	swait.ge @!p0 [sflag:s0], s1  }
0xce: {  	s1 =	ssub.s32 @!p0 $0x0, s1;
	[sflag:s0] =	ssyncset.done @!p0 $0x0  }
0xcf: {  	[sflag:s0] =	ssyncadd.s32 @!p0 s1  }
0xd0: {  	[bflag:$0x3] =	sbarrier.arrive $0xFFFF  }
0xd1: {  	_ =	shalt  }

// kernel: kernel.9.cloned.1.call-start
scs
__scs_entry_jumppad:
0x0: {  	(pc) =	sbr.rel $0x88, $3  }
0x1: {  	(tag) =	ssettag $0x0;
	lr =	simm.s32 $0x1  }
0x2: {  	[smem:$0x3F8F] =	sst lr;
	_ =	strace $0xD0000000  }
0x3: {  	_ = 	snop  }
0x4: {  	_ = 	snop  }
0x5: {  	_ = 	snop  }
0x6: {  	_ = 	snop  }
0x7: {  	_ = 	snop  }
__scs_overlays_trampoline_lowered:
0x8: {  	[smem:$0x3F9E] =	sst s0  }
0x9: {  	[smem:$0x3F9F] =	sst s1  }
0xa: {  	[smem:$0x3FA0] =	sst s2  }
0xb: {  	[smem:$0x3FA1] =	sst s3  }
0xc: {  	[smem:$0x3FA2] =	sst s4  }
0xd: {  	[smem:$0x3FA3] =	sst s5  }
0xe: {  	[smem:$0x3FA4] =	sst s6  }
0xf: {  	[smem:$0x3FA5] =	sst s7  }
0x10: {  	[smem:$0x3FA6] =	sst s8  }
0x11: {  	[smem:$0x3FA7] =	sst s9;
	s0 =	simm.s32 @!p0 $0x0  }
0x12: {  	s1 =	sld [smem:$0x3F8D];
	s0 =	simm.s32 @p0 $0x1  }
0x13: {  	[smem:$0x3FA8] =	sst s0;
	s0 =	simm.s32 @!p1 $0x0  }
0x14: {  	s2 =	sld [smem:$0x3F8C];
	s0 =	simm.s32 @p1 $0x1  }
0x15: {  	[smem:$0x3FA9] =	sst s0;
	s0 =	simm.s32 @!p2 $0x0  }
0x16: {  	s3 =	sld [smem:$0x3FDB];
	s0 =	simm.s32 @p2 $0x1  }
0x17: {  	s4 =	simm.s32 $0x1BF5;
	[smem:$0x3FAB] =	sst s0  }
0x18: {  	s0 =	sld [smem:$0x3F8E];
	_ =	swait.ge [sflag:s4], $0x0  }
0x19: {  	s7 =	sld [smem:$0x3F8F]  }
0x1a: {  	s8 =	sadd.s32 $0xFFFFE003, lr  }
0x1b: {  	s9 =	sadd.s32 $0xFFFFFEF7, lr;
	s5 =	simm.s32 $0xFFFFFFFF;
	p2 =	slt.u32 s8, $0xFFFFF086  }
0x1c: {  	p1 =	slt.u32 s9, $0xF7A;
	s5 =	simm.s32 @!p2 $0x0  }
0x1d: {  	s5 =	simm.s32 @p1 $0x1;
	p0 =	seq.s32 s7, s2  }
0x1e: {  	s7 =	smul.u32 @!p0 $0xF7A, s2;
	p2 =	seq.s32 @!p0 s5, $0x0  }
0x1f: {  	s9 =	smul.u32 $0xF7A, s1;
	s8 =	simm.s32 @!p0 $0x1BF5;
	p2 =	por !p2, p0  }
0x20: {  	[sflag:s8] =	ssyncset.s32 @!p0 $0xFFFFF086;
	s6 =	sadd.s32 @!p0 s3, s7;
	s7 =	simm.s32 @!p0 $0x108  }
0x21: {  	s3 =	sadd.s32 s3, s9;
	s6 =	sadd.s32 @!p0 $0x88, s6;
	s7 =	simm.s32 @p2 $0x1082  }
0x22: {  	[simem:s7], [sflag:s8] =	dma.local @!p0 [hbm:s6], $0xF7A  }
0x23: {  	s9 =	sor.u32 $0xD0000000, s2;
	s6 =	simm.s32 $0x108;
	_ =	swait.ge @!p0 [sflag:s8], $0x0  }
0x24: {  	s3 =	sadd.s32 $0x88, s3;
	s6 =	simm.s32 @!p1 $0x1082;
	[sflag:s4] =	ssyncset.s32 $0xFFFFF086  }
0x25: {  	[simem:s6], [sflag:s4] =	dma.local [hbm:s3], $0xF7A  }
0x26: {  	[smem:$0x3F8F] =	sst s1;
	(tag) =	ssettag s2;
	_ =	strace s9  }
0x27: {  	s1 =	sld [smem:$0x3F9F]  }
0x28: {  	s2 =	sld [smem:$0x3FA0]  }
0x29: {  	s4 =	sld [smem:$0x3FA2]  }
0x2a: {  	p0 =	seq.s32 s5, $0x0;
	s5 =	sld [smem:$0x3FA3]  }
0x2b: {  	s6 =	sld [smem:$0x3FA4]  }
0x2c: {  	s7 =	sld [smem:$0x3FA5]  }
0x2d: {  	s3 =	simm.s32 $0x108;
	s8 =	sld [smem:$0x3FA6]  }
0x2e: {  	s3 =	simm.s32 @!p0 $0x1082;
	s9 =	sld [smem:$0x3FA7]  }
0x2f: {  	lr =	sadd.s32 s0, s3;
	s0 =	sld [smem:$0x3F9E]  }
0x30: {  	s3 =	sld [smem:$0x3FA1]  }
0x31: {  	[smem:$0x3FAA] =	sst s10  }
0x32: {  	s10 =	sld [smem:$0x3FA8];
	_ =	sdelay $0x3  }
0x33: {  	p0 =	seq.s32 s10, $0x1;
	s10 =	sld [smem:$0x3FAA];
	_ =	sdelay $0x3  }
0x34: {  	[smem:$0x3FAA] =	sst s10  }
0x35: {  	s10 =	sld [smem:$0x3FA9];
	_ =	sdelay $0x3  }
0x36: {  	p1 =	seq.s32 s10, $0x1;
	s10 =	sld [smem:$0x3FAA];
	_ =	sdelay $0x3  }
0x37: {  	[smem:$0x3FAA] =	sst s10  }
0x38: {  	s10 =	sld [smem:$0x3FAB]  }
0x39: {  	_ = 	snop;
	(pc) =	sbr.ind lr, $3  }
0x3a: {  	_ = 	snop  }
0x3b: {  	_ = 	snop  }
0x3c: {  	p2 =	seq.s32 s10, $0x1;
	s10 =	sld [smem:$0x3FAA]  }
0x3d: {  	_ =	shalt  }
0x3e: {  	_ =	shalt  }
0x3f: {  	_ =	shalt  }
0x40: {  	_ =	shalt  }
0x41: {  	_ =	shalt  }
0x42: {  	_ =	shalt  }
0x43: {  	_ =	shalt  }
0x44: {  	_ =	shalt  }
0x45: {  	_ =	shalt  }
0x46: {  	_ =	shalt  }
0x47: {  	_ =	shalt  }
0x48: {  	_ =	shalt  }
0x49: {  	_ =	shalt  }
0x4a: {  	_ =	shalt  }
0x4b: {  	_ =	shalt  }
0x4c: {  	_ =	shalt  }
0x4d: {  	_ =	shalt  }
0x4e: {  	_ =	shalt  }
0x4f: {  	_ =	shalt  }
0x50: {  	_ =	shalt  }
0x51: {  	_ =	shalt  }
0x52: {  	_ =	shalt  }
0x53: {  	_ =	shalt  }
0x54: {  	_ =	shalt  }
0x55: {  	_ =	shalt  }
0x56: {  	_ =	shalt  }
0x57: {  	_ =	shalt  }
0x58: {  	_ =	shalt  }
0x59: {  	_ =	shalt  }
0x5a: {  	_ =	shalt  }
0x5b: {  	_ =	shalt  }
0x5c: {  	_ =	shalt  }
0x5d: {  	_ =	shalt  }
0x5e: {  	_ =	shalt  }
0x5f: {  	_ =	shalt  }
0x60: {  	_ =	shalt  }
0x61: {  	_ =	shalt  }
0x62: {  	_ =	shalt  }
0x63: {  	_ =	shalt  }
0x64: {  	_ =	shalt  }
0x65: {  	_ =	shalt  }
0x66: {  	_ =	shalt  }
0x67: {  	_ =	shalt  }
0x68: {  	_ =	shalt  }
0x69: {  	_ =	shalt  }
0x6a: {  	_ =	shalt  }
0x6b: {  	_ =	shalt  }
0x6c: {  	_ =	shalt  }
0x6d: {  	_ =	shalt  }
0x6e: {  	_ =	shalt  }
0x6f: {  	_ =	shalt  }
0x70: {  	_ =	shalt  }
0x71: {  	_ =	shalt  }
0x72: {  	_ =	shalt  }
0x73: {  	_ =	shalt  }
0x74: {  	_ =	shalt  }
0x75: {  	_ =	shalt  }
0x76: {  	_ =	shalt  }
0x77: {  	_ =	shalt  }
0x78: {  	_ =	shalt  }
0x79: {  	_ =	shalt  }
0x7a: {  	_ =	shalt  }
0x7b: {  	_ =	shalt  }
0x7c: {  	_ =	shalt  }
0x7d: {  	_ =	shalt  }
0x7e: {  	_ =	shalt  }
0x7f: {  	_ =	shalt  }
0x80: {  	_ =	shalt  }
0x81: {  	_ =	shalt  }
0x82: {  	_ =	shalt  }
0x83: {  	_ =	shalt  }
0x84: {  	_ =	shalt  }
0x85: {  	_ =	shalt  }
0x86: {  	_ =	shalt  }
0x87: {  	_ =	shalt  }
.Lfunc_end0:
.L_simem_size_0:
called_computation.1_lowered:
.L_overlay_start_0:
0x88: {  	s2 =	sld [smem:$0x3FD9]  }
0x89: {  	s3 =	sld [smem:$0x3FFE];
	_ =	sdelay $0x1  }
0x8a: {  	s1 =	srdreg.scid  }
0x8b: {  	s0 =	sand.u32 $0x1, s1  }
0x8c: {  	s17 =	sshll.u32 s0, $0xA;
	s2 =	sadd.s32 s3, s2  }
0x8d: {  	s2 =	sadd.s32 s2, s17  }
0x8e: {  	[smem:$0x3FB6] =	sst s2  }
0x8f: {  	_ = 	snop  }
0x90: {  	s2 =	sld [smem:$0x3FD0];
	(tm) =	ssettm $0x1  }
0x91: {  	s18 =	sld [smem:$0x3FFB];
	_ =	sdelay $0x3  }
0x92: {  	_ =	strace s18  }
0x93: {  	s3 =	sld [smem:$0x3FFC];
	_ =	sdelay $0x3  }
0x94: {  	_ =	strace s3  }
0x95: {  	s3 =	sld [smem:$0x3FFD];
	_ =	sdelay $0x3  }
0x96: {  	_ =	strace s3  }
0x97: {  	_ =	strace $0x8FFFFFFF  }
0x98: {  	s19 =	sld [smem:$0x3FDB];
	_ =	sdelay $0x1  }
0x99: {  	s4 =	simm.s32 $_scs_section_size  }
0x9a: {  	s5 =	simm.s32 $_size__tile_overlayer_lowered;
	s6 =	simm.s32 $_tile_overlayer_lowered  }
0x9b: {  	s22 =	simm.s32 $0x1BFF;
	s21 =	sshll.u32 s6, $0x1;
	s3 =	sadd.s32 s4, s19  }
0x9c: {  	s7 =	simm.s32 $0x0;
	s20 =	sshll.u32 s5, $0x1;
	s5 =	sadd.s32 s21, s3  }
0x9d: {  	[timem:s7], [sflag:s22] =	dma.local [hbm:s5], s20  }
0x9e: {  	_ =	swait.ge [sflag:s22], s20  }
0x9f: {  	s4 =	ssub.s32 $0x0, s20;
	[sflag:s22] =	ssyncset.done $0x0  }
0xa0: {  	[sflag:s22] =	ssyncadd.s32 s4;
	_ =	sdelay $0x1  }
0xa1: {  	s23 =	simm.s32 $0x1B8B  }
0xa2: {  	_ =	swait.ge [sflag:s23], $0x1  }
0xa3: {  	[sflag:s23] =	ssyncset.done $0x0  }
0xa4: {  	s25 =	simm.s32 $0x1B8E;
	s24 =	sld [smem:$0x3FFE];
	[sflag:s23] =	ssyncadd.s32 $0xFFFFFFFF  }
0xa5: {  	s26 =	simm.s32 $execute0_lowered;
	[smem:$0x3FD2] =	sst s25  }
0xa6: {  	s5 =	sshll.u32 s26, $0x1;
	_ =	strace $0x80000049;
	[dreg:$0x1] =	wrdreg $0xFFFFFFFF  }
0xa7: {  	s28 =	simm.s32 $_size_execute0_lowered;
	s3 =	sadd.s32 s3, s5;
	[dreg:$0x0] =	wrdreg $0x0  }
0xa8: {  	s5 =	sshll.u32 s28, $0x1;
	[dreg:$0x2] =	wrdreg s3  }
0xa9: {  	[dreg:$0x3] =	wrdreg s5  }
0xaa: {  	[dreg:$0x4] =	wrdreg $0xC0  }
0xab: {  	_ =	task [dreg:s7], $0x5FFFF  }
0xac: {  	[dreg:$0x1] =	wrdreg $0xFFFFFFFF  }
0xad: {  	[dreg:$0x0] =	wrdreg $0x60  }
0xae: {  	[dreg:$0x2] =	wrdreg s2  }
0xaf: {  	[dreg:$0x3] =	wrdreg s24  }
0xb0: {  	[dreg:$0x4] =	wrdreg $0xA8000  }
0xb1: {  	[dreg:$0x5] =	wrdreg $0x9  }
0xb2: {  	_ =	task.clear_ibuf [dreg:s7], $0x6FFFF;
	_ =	strace $0x90000049  }
0xb3: {  	s29 =	simm.s32 $0x9;
	_ =	strace $0x8000004B  }
0xb4: {  	_ =	swait.ge [sflag:s29], $0x1  }
0xb5: {  	[sflag:s29] =	ssyncadd.s32 $0xFFFFFFFF  }
0xb6: {  	_ =	strace $0x9000004B  }
0xb7: {  	_ =	sfence  }
0xb8: {  	s30 =	sld [smem:$0x0];
	_ =	sdelay $0x2  }
0xb9: {  	s31 =	sshll.u32 s1, $0xD;
	s1 =	sshrl.u32 s1, $0x2  }
0xba: {  	s3 =	sand.u32 $0x4000, s31;
	s1 =	sadd.s32 s1, s30  }
0xbb: {  	s0 =	sor.u32 s3, s0;
	s1 =	sshll.u32 s1, $0x11  }
0xbc: {  	s0 =	sor.u32 s1, s0  }
0xbd: {  	s0 =	sadd.s32 $0x8F2B, s0  }
0xbe: {  	[sflag:s0] =	ssyncadd.remote.s32 $0x1  }
0xbf: {  	_ =	sfence.sel $0xFFFF  }
0xc0: {  	[dreg:$0x0] =	wrdreg $0xFFFFFFFF;
	(pc) =	sbr.abs _section_cstart, $3  }
0xc1: {  	[dreg:$0x1] =	wrdreg $0xFFFFFFFF  }
0xc2: {  	_ =	task.clear_ibuf [dreg:s7], $0x2FFFF;
	_ =	strace $0x9FFFFFFF  }
0xc3: {  	(tm) =	ssettm $0x7FFFFFFF  }
tec
execute0_lowered:
.L_overlay_start_1:
0x0: {  	(tag) =	ssettag $0x1  }
0x1: {  	s1 =	rddreg [dreg:$0x0]  }
0x2: {  	s6 =	rddreg [dreg:$0x1]  }
0x3: {  	s2 =	rddreg [dreg:$0x2]  }
0x4: {  	s3 =	simm.s32 $0x0;
	s4 =	srdreg.scid;
	s0 =	stileid.u32  }
0x5: {  	s20 =	simm.s32 $0x7D;
	s21 =	simm.s32 $0x2800;
	s28 =	simm.s32 $0x2780  }
0x6: {  	s29 =	simm.s32 $0x0;
	[smem:$0x7FF] =	sst s3;
	s10 =	sadd.s32 $0xCC00, s6  }
0x7: {  	s11 =	sadd.s32 $0x2C00, s6;
	s5 =	sadd.s32 $0x16C00, s6;
	s8 =	sand.u32 $0x1, s4  }
0x8: {  	s13 =	smul.u32 $0x4E000, s0;
	s14 =	sadd.s32 $0x19400, s6;
	s6 =	sshll.u32 s0, $0x6  }
0x9: {  	s17 =	sadd.s32 $0x138000, s2;
	s19 =	smul.u32 $0x13800, s0;
	p0 =	sne.s32 s0, $0xF  }
0xa: {  	_ =	strace $0x8000004A;
	s7 =	ssub.s32 $0x2, s8;
	s9 =	sshll.u32 s8, $0x4  }
0xb: {  	s24 =	sor.u32 $0x1C03, s6;
	s25 =	smul.u32 $0x138800, s8;
	s12 =	sshrl.u32 s7, $0x1  }
0xc: {  	s9 =	sor.u32 s0, s9;
	s23 =	sshrl.u32 s13, $0x2;
	[dreg:$0x4] =	wrdreg s24  }
0xd: {  	s24 =	simm.s32 $0x2;
	s15 =	ssub.s32 s7, s12;
	s22 =	smul.u32 $0x500, s9  }
0xe: {  	s9 =	smul.u32 $0x2800, s9;
	s16 =	sadd.s32 s23, s2;
	s30 =	sadd.s32 s19, s25  }
0xf: {  	s13 =	sshrl.u32 s25, $0x3;
	s19 =	simm.s32 $0x3;
	s23 =	simm.s32 $0x1  }
0x10: {  	s25 =	simm.s32 $0x1380;
	s31 =	sshrl.u32 s30, $0x3;
	s13 =	sadd.s32 s14, s13  }
0x11: {  	s18 =	sshrl.u32 s9, $0x3;
	s8 =	sadd.s32 s10, s22;
	s9 =	sadd.s32 s11, s22  }
0x12: {  	s12 =	sadd.s32 s14, s31;
	s13 =	sadd.s32 $0x27000, s13;
	s14 =	smax.u32 s15, $0x1  }
0x13: {  	s15 =	sshrl.u32 s16, $0x3;
	s16 =	sshrl.u32 @!p0 s17, $0x3;
	s17 =	simm.s32 $0x4  }
0x14: {  	s22 =	simm.s32 $0x6800;
	s26 =	sadd.s32 $0x280, s18;
	s18 =	simm.s32 $0x1400  }
0x15: {  	s10 =	sadd.s32 s10, s26;
	s11 =	sadd.s32 s11, s26;
	s26 =	simm.s32 $0x2700  }
.LBB2_1:
0x16: {  	s0 =	rddreg [dreg:$0x4];
	s30 =	simm.s32 @!p0 $0x1FC4  }
0x17: {  	[spmem:s15], [sflag:s0] =	dma.local [hbm:s5], $0x2700  }
0x18: {  	[spmem:s16], [sflag:s30] =	dma.local @!p0 [hbm:s5], $0x100  }
0x19: {  	s30 =	simm.s32 @!p0 $0x4  }
0x1a: {  	_ =	swait.ge @!p0 [sflag:s30], $0x100  }
0x1b: {  	[sflag:s30] =	ssyncset.done @!p0 $0x0  }
0x1c: {  	[sflag:s30] =	ssyncadd.s32 @!p0 $0xFFFFFF00  }
0x1d: {  	[tilespmem:s3], [sflag:$0x4] =	stream.linear.gather [hbm4b:s8+s3], $0x1400, $0x38;
	[tilespmem:$0x1E080] =	vst v63  }
0x1e: {  	_ =	swait.ge [sflag:s17], $0x1400  }
0x1f: {  	[sflag:s17] =	ssyncset.done $0x0  }
0x20: {  	[sflag:s17] =	ssyncadd.s32 $0xFFFFEC00  }
0x21: {  	[tilespmem:s18], [sflag:$0x4] =	stream.linear.gather [hbm4b:s9+s3], $0x1400, $0x38;
	[tilespmem:$0x1E080] =	vst v63  }
0x22: {  	_ =	swait.ge [sflag:s17], $0x1400  }
0x23: {  	[sflag:s17] =	ssyncset.done $0x0  }
0x24: {  	[sflag:s17] =	ssyncadd.s32 $0xFFFFEC00  }
0x25: {  	_ =	swait.ge [sflag:s19], $0x2700  }
0x26: {  	[sflag:s19] =	ssyncset.done $0x0  }
0x27: {  	[sflag:s19] =	ssyncadd.s32 $0xFFFFD900  }
0x28: {  	[bflag:$0x0] =	sbarrier.arrive $0xFFFF  }
0x29: {  	[tilespmem:s21], [sflag:$0x1] =	stream.indirect.gather [hbm4b:s1+s20], $0x80, s3, s20, $0xb8;
	[tilespmem:$0x1E080] =	vst v63  }
0x2a: {  	s30 =	simm.s32 $0x80  }
0x2b: {  	[tilespmem:s22], [sflag:$0x2] =	stream.indirect.gather [hbm4b:s1+s20], $0x80, s30, s20, $0xb8;
	[tilespmem:$0x1E080] =	vst v63  }
0x2c: {  	_ =	swait.ge [sflag:s23], $0x3E80  }
0x2d: {  	[sflag:s23] =	ssyncset.done $0x0  }
0x2e: {  	s30 =	simm.s32 $0x1400;
	[sflag:s23] =	ssyncadd.s32 $0xFFFFC180  }
0x2f: {  	[spmem:s2] =	stream.indirect.scatter.add.f32 [tilespmem:s21], [sflag:$0x4], $0x80, s30, s20, $0xb8;
	[tilespmem:$0x1E080] =	vst v63  }
0x30: {  	_ =	swait.ge [sflag:s17], $0x3E80  }
0x31: {  	[sflag:s17] =	ssyncset.done $0x0  }
0x32: {  	s30 =	simm.s32 $0x100;
	[sflag:s17] =	ssyncadd.s32 $0xFFFFC180  }
0x33: {  	[tilespmem:s21], [sflag:$0x1] =	stream.indirect.gather [hbm4b:s1+s20], $0x80, s30, s20, $0xb8;
	[tilespmem:$0x1E080] =	vst v63  }
0x34: {  	_ =	swait.ge [sflag:s24], $0x3E80  }
0x35: {  	[sflag:s24] =	ssyncset.done $0x0  }
0x36: {  	s30 =	simm.s32 $0x1480;
	[sflag:s24] =	ssyncadd.s32 $0xFFFFC180  }
0x37: {  	[spmem:s2] =	stream.indirect.scatter.add.f32 [tilespmem:s22], [sflag:$0x4], $0x80, s30, s20, $0xb8;
	[tilespmem:$0x1E080] =	vst v63  }
0x38: {  	_ =	swait.ge [sflag:s17], $0x3E80  }
0x39: {  	s31 =	simm.s32 $0x800;
	s30 =	simm.s32 $0x100;
	[sflag:s17] =	ssyncset.done $0x0  }
.LBB2_2:
0x3a: {  	s0 =	sadd.s32 $0x80, s30  }
0x3b: {  	[sflag:s17] =	ssyncadd.s32 $0xFFFFC180;
	s4 =	smov.u32 s31;
	s7 =	sadd.s32 $0x400, s31  }
0x3c: {  	[tilespmem:s22], [sflag:$0x2] =	stream.indirect.gather [hbm4b:s1+s20], $0x80, s0, s20, $0xb8;
	[tilespmem:$0x1E080] =	vst v63  }
0x3d: {  	p1 =	sne.s32 s31, $0x4800;
	_ =	swait.ge [sflag:s23], $0x3E80  }
0x3e: {  	[sflag:s23] =	ssyncset.done $0x0  }
0x3f: {  	s0 =	sadd.s32 $0x1400, s30;
	[sflag:s23] =	ssyncadd.s32 $0xFFFFC180  }
0x40: {  	[spmem:s2] =	stream.indirect.scatter.add.f32 [tilespmem:s21], [sflag:$0x4], $0x80, s0, s20, $0xb8;
	[tilespmem:$0x1E080] =	vst v63  }
0x41: {  	_ =	swait.ge [sflag:s17], $0x3E80  }
0x42: {  	[sflag:s17] =	ssyncset.done $0x0  }
0x43: {  	s0 =	sadd.s32 $0x100, s30;
	[sflag:s17] =	ssyncadd.s32 $0xFFFFC180  }
0x44: {  	[tilespmem:s21], [sflag:$0x1] =	stream.indirect.gather [hbm4b:s1+s20], $0x80, s0, s20, $0xb8;
	[tilespmem:$0x1E080] =	vst v63  }
0x45: {  	_ =	swait.ge [sflag:s24], $0x3E80  }
.Ltmp0:
0x46: {  	[sflag:s24] =	ssyncset.done $0x0;
	(pc) =	sbr.rel @p1 .LBB2_2-.Ltmp0, $4  }
0x47: {  	s0 =	sadd.s32 $0x1480, s30;
	[sflag:s24] =	ssyncadd.s32 $0xFFFFC180  }
0x48: {  	[spmem:s2] =	stream.indirect.scatter.add.f32 [tilespmem:s22], [sflag:$0x4], $0x80, s0, s20, $0xb8;
	[tilespmem:$0x1E080] =	vst v63  }
0x49: {  	_ =	swait.ge [sflag:s17], $0x3E80  }
0x4a: {  	s31 =	smov.u32 s7;
	s30 =	sshra.s32 s4, $0x2;
	[sflag:s17] =	ssyncset.done $0x0  }
0x4b: {  	s0 =	sadd.s32 $0x80, s30;
	[sflag:s17] =	ssyncadd.s32 $0xFFFFC180  }
0x4c: {  	[tilespmem:s22], [sflag:$0x2] =	stream.indirect.gather [hbm4b:s1+s20], $0x80, s0, s20, $0xb8;
	[tilespmem:$0x1E080] =	vst v63  }
0x4d: {  	_ =	swait.ge [sflag:s23], $0x3E80  }
0x4e: {  	[sflag:s23] =	ssyncset.done $0x0  }
0x4f: {  	s4 =	sadd.s32 $0x1400, s30;
	[sflag:s23] =	ssyncadd.s32 $0xFFFFC180  }
0x50: {  	[spmem:s2] =	stream.indirect.scatter.add.f32 [tilespmem:s21], [sflag:$0x4], $0x80, s4, s20, $0xb8;
	[tilespmem:$0x1E080] =	vst v63  }
0x51: {  	_ =	swait.ge [sflag:s17], $0x3E80  }
0x52: {  	[sflag:s17] =	ssyncset.done $0x0  }
0x53: {  	s7 =	sadd.s32 $0x100, s30;
	[sflag:s17] =	ssyncadd.s32 $0xFFFFC180  }
0x54: {  	[tilespmem:s21], [sflag:$0x1] =	stream.indirect.gather [hbm4b:s1+s20], $0x80, s7, s20, $0xb8;
	[tilespmem:$0x1E080] =	vst v63  }
0x55: {  	_ =	swait.ge [sflag:s24], $0x3E80  }
0x56: {  	[sflag:s24] =	ssyncset.done $0x0  }
0x57: {  	s4 =	sadd.s32 $0x1480, s30;
	[sflag:s24] =	ssyncadd.s32 $0xFFFFC180  }
0x58: {  	[spmem:s2] =	stream.indirect.scatter.add.f32 [tilespmem:s22], [sflag:$0x4], $0x80, s4, s20, $0xb8;
	[tilespmem:$0x1E080] =	vst v63  }
0x59: {  	_ =	swait.ge [sflag:s17], $0x3E80  }
0x5a: {  	[sflag:s17] =	ssyncset.done $0x0  }
0x5b: {  	[sflag:s17] =	ssyncadd.s32 $0xFFFFC180  }
0x5c: {  	[tilespmem:s22], [sflag:$0x2] =	stream.indirect.gather [hbm4b:s1+s20], $0x80, s25, s20, $0xb8;
	[tilespmem:$0x1E080] =	vst v63  }
0x5d: {  	_ =	swait.ge [sflag:s23], $0x3E80  }
0x5e: {  	[sflag:s23] =	ssyncset.done $0x0  }
0x5f: {  	[sflag:s23] =	ssyncadd.s32 $0xFFFFC180  }
0x60: {  	[spmem:s2] =	stream.indirect.scatter.add.f32 [tilespmem:s21], [sflag:$0x4], $0x80, s26, s20, $0xb8;
	[tilespmem:$0x1E080] =	vst v63  }
0x61: {  	_ =	swait.ge [sflag:s17], $0x3E80  }
0x62: {  	[sflag:s17] =	ssyncset.done $0x0  }
0x63: {  	[sflag:s17] =	ssyncadd.s32 $0xFFFFC180  }
0x64: {  	_ =	swait.ge [sflag:s24], $0x3E80  }
0x65: {  	[sflag:s24] =	ssyncset.done $0x0  }
0x66: {  	[sflag:s24] =	ssyncadd.s32 $0xFFFFC180  }
0x67: {  	[spmem:s2] =	stream.indirect.scatter.add.f32 [tilespmem:s22], [sflag:$0x4], $0x80, s28, s20, $0xb8;
	[tilespmem:$0x1E080] =	vst v63  }
0x68: {  	_ =	swait.ge [sflag:s17], $0x3E80  }
0x69: {  	[sflag:s17] =	ssyncset.done $0x0  }
0x6a: {  	s7 =	simm.s32 $0x0;
	[sflag:s17] =	ssyncadd.s32 $0xFFFFC180  }
0x6b: {  	[tilespmem:s7], [sflag:$0x4] =	stream.linear.gather [hbm4b:s10+s7], $0x1400, $0x38;
	[tilespmem:$0x1E080] =	vst v63  }
0x6c: {  	_ =	swait.ge [sflag:s17], $0x1400  }
0x6d: {  	[sflag:s17] =	ssyncset.done $0x0  }
0x6e: {  	[sflag:s17] =	ssyncadd.s32 $0xFFFFEC00  }
0x6f: {  	[tilespmem:s18], [sflag:$0x4] =	stream.linear.gather [hbm4b:s11+s7], $0x1400, $0x38;
	[tilespmem:$0x1E080] =	vst v63  }
0x70: {  	_ =	swait.ge [sflag:s17], $0x1400  }
0x71: {  	[sflag:s17] =	ssyncset.done $0x0  }
0x72: {  	[sflag:s17] =	ssyncadd.s32 $0xFFFFEC00  }
0x73: {  	[tilespmem:s21], [sflag:$0x1] =	stream.indirect.gather [hbm4b:s1+s20], $0x80, s7, s20, $0xb8;
	[tilespmem:$0x1E080] =	vst v63  }
0x74: {  	s4 =	simm.s32 $0x80  }
0x75: {  	[tilespmem:s22], [sflag:$0x2] =	stream.indirect.gather [hbm4b:s1+s20], $0x80, s4, s20, $0xb8;
	[tilespmem:$0x1E080] =	vst v63  }
0x76: {  	_ =	swait.ge [sflag:s23], $0x3E80  }
0x77: {  	[sflag:s23] =	ssyncset.done $0x0  }
0x78: {  	s7 =	simm.s32 $0x1400;
	[sflag:s23] =	ssyncadd.s32 $0xFFFFC180  }
0x79: {  	[spmem:s2] =	stream.indirect.scatter.add.f32 [tilespmem:s21], [sflag:$0x4], $0x80, s7, s20, $0xb8;
	[tilespmem:$0x1E080] =	vst v63  }
0x7a: {  	_ =	swait.ge [sflag:s17], $0x3E80  }
0x7b: {  	[sflag:s17] =	ssyncset.done $0x0  }
0x7c: {  	s4 =	simm.s32 $0x100;
	[sflag:s17] =	ssyncadd.s32 $0xFFFFC180  }
0x7d: {  	[tilespmem:s21], [sflag:$0x1] =	stream.indirect.gather [hbm4b:s1+s20], $0x80, s4, s20, $0xb8;
	[tilespmem:$0x1E080] =	vst v63  }
0x7e: {  	_ =	swait.ge [sflag:s24], $0x3E80  }
0x7f: {  	[sflag:s24] =	ssyncset.done $0x0  }
0x80: {  	s7 =	simm.s32 $0x1480;
	[sflag:s24] =	ssyncadd.s32 $0xFFFFC180  }
0x81: {  	[spmem:s2] =	stream.indirect.scatter.add.f32 [tilespmem:s22], [sflag:$0x4], $0x80, s7, s20, $0xb8;
	[tilespmem:$0x1E080] =	vst v63  }
0x82: {  	_ =	swait.ge [sflag:s17], $0x3E80  }
0x83: {  	s31 =	simm.s32 $0x800;
	s30 =	simm.s32 $0x100;
	[sflag:s17] =	ssyncset.done $0x0  }
.LBB2_4:
0x84: {  	s0 =	sadd.s32 $0x80, s30  }
0x85: {  	[sflag:s17] =	ssyncadd.s32 $0xFFFFC180;
	s4 =	smov.u32 s31;
	s7 =	sadd.s32 $0x400, s31  }
0x86: {  	[tilespmem:s22], [sflag:$0x2] =	stream.indirect.gather [hbm4b:s1+s20], $0x80, s0, s20, $0xb8;
	[tilespmem:$0x1E080] =	vst v63  }
0x87: {  	p1 =	sne.s32 s31, $0x4800;
	_ =	swait.ge [sflag:s23], $0x3E80  }
0x88: {  	[sflag:s23] =	ssyncset.done $0x0  }
0x89: {  	s0 =	sadd.s32 $0x1400, s30;
	[sflag:s23] =	ssyncadd.s32 $0xFFFFC180  }
0x8a: {  	[spmem:s2] =	stream.indirect.scatter.add.f32 [tilespmem:s21], [sflag:$0x4], $0x80, s0, s20, $0xb8;
	[tilespmem:$0x1E080] =	vst v63  }
0x8b: {  	_ =	swait.ge [sflag:s17], $0x3E80  }
0x8c: {  	[sflag:s17] =	ssyncset.done $0x0  }
0x8d: {  	s0 =	sadd.s32 $0x100, s30;
	[sflag:s17] =	ssyncadd.s32 $0xFFFFC180  }
0x8e: {  	[tilespmem:s21], [sflag:$0x1] =	stream.indirect.gather [hbm4b:s1+s20], $0x80, s0, s20, $0xb8;
	[tilespmem:$0x1E080] =	vst v63  }
0x8f: {  	_ =	swait.ge [sflag:s24], $0x3E80  }
.Ltmp1:
0x90: {  	[sflag:s24] =	ssyncset.done $0x0;
	(pc) =	sbr.rel @p1 .LBB2_4-.Ltmp1, $4  }
0x91: {  	s0 =	sadd.s32 $0x1480, s30;
	[sflag:s24] =	ssyncadd.s32 $0xFFFFC180  }
0x92: {  	[spmem:s2] =	stream.indirect.scatter.add.f32 [tilespmem:s22], [sflag:$0x4], $0x80, s0, s20, $0xb8;
	[tilespmem:$0x1E080] =	vst v63  }
0x93: {  	_ =	swait.ge [sflag:s17], $0x3E80  }
0x94: {  	s31 =	smov.u32 s7;
	s30 =	sshra.s32 s4, $0x2;
	[sflag:s17] =	ssyncset.done $0x0  }
0x95: {  	s0 =	sadd.s32 $0x80, s30;
	[sflag:s17] =	ssyncadd.s32 $0xFFFFC180  }
0x96: {  	[tilespmem:s22], [sflag:$0x2] =	stream.indirect.gather [hbm4b:s1+s20], $0x80, s0, s20, $0xb8;
	[tilespmem:$0x1E080] =	vst v63  }
0x97: {  	_ =	swait.ge [sflag:s23], $0x3E80  }
0x98: {  	[sflag:s23] =	ssyncset.done $0x0  }
0x99: {  	s4 =	sadd.s32 $0x1400, s30;
	[sflag:s23] =	ssyncadd.s32 $0xFFFFC180  }
0x9a: {  	[spmem:s2] =	stream.indirect.scatter.add.f32 [tilespmem:s21], [sflag:$0x4], $0x80, s4, s20, $0xb8;
	[tilespmem:$0x1E080] =	vst v63  }
0x9b: {  	_ =	swait.ge [sflag:s17], $0x3E80  }
0x9c: {  	[sflag:s17] =	ssyncset.done $0x0  }
0x9d: {  	s7 =	sadd.s32 $0x100, s30;
	[sflag:s17] =	ssyncadd.s32 $0xFFFFC180  }
0x9e: {  	[tilespmem:s21], [sflag:$0x1] =	stream.indirect.gather [hbm4b:s1+s20], $0x80, s7, s20, $0xb8;
	[tilespmem:$0x1E080] =	vst v63  }
0x9f: {  	_ =	swait.ge [sflag:s24], $0x3E80  }
0xa0: {  	[sflag:s24] =	ssyncset.done $0x0  }
0xa1: {  	s31 =	sadd.s32 $0x1480, s30;
	[sflag:s24] =	ssyncadd.s32 $0xFFFFC180  }
0xa2: {  	[spmem:s2] =	stream.indirect.scatter.add.f32 [tilespmem:s22], [sflag:$0x4], $0x80, s31, s20, $0xb8;
	[tilespmem:$0x1E080] =	vst v63  }
0xa3: {  	_ =	swait.ge [sflag:s17], $0x3E80  }
0xa4: {  	[sflag:s17] =	ssyncset.done $0x0  }
0xa5: {  	[sflag:s17] =	ssyncadd.s32 $0xFFFFC180  }
0xa6: {  	[tilespmem:s22], [sflag:$0x2] =	stream.indirect.gather [hbm4b:s1+s20], $0x80, s25, s20, $0xb8;
	[tilespmem:$0x1E080] =	vst v63  }
0xa7: {  	_ =	swait.ge [sflag:s23], $0x3E80  }
0xa8: {  	[sflag:s23] =	ssyncset.done $0x0  }
0xa9: {  	[sflag:s23] =	ssyncadd.s32 $0xFFFFC180  }
0xaa: {  	[spmem:s2] =	stream.indirect.scatter.add.f32 [tilespmem:s21], [sflag:$0x4], $0x80, s26, s20, $0xb8;
	[tilespmem:$0x1E080] =	vst v63  }
0xab: {  	_ =	swait.ge [sflag:s17], $0x3E80  }
0xac: {  	[sflag:s17] =	ssyncset.done $0x0  }
0xad: {  	[sflag:s17] =	ssyncadd.s32 $0xFFFFC180  }
0xae: {  	_ =	swait.ge [sflag:s24], $0x3E80  }
0xaf: {  	[sflag:s24] =	ssyncset.done $0x0  }
0xb0: {  	[sflag:s24] =	ssyncadd.s32 $0xFFFFC180  }
0xb1: {  	[spmem:s2] =	stream.indirect.scatter.add.f32 [tilespmem:s22], [sflag:$0x4], $0x80, s28, s20, $0xb8;
	[tilespmem:$0x1E080] =	vst v63  }
0xb2: {  	_ =	swait.ge [sflag:s17], $0x3E80  }
0xb3: {  	[sflag:s17] =	ssyncset.done $0x0  }
0xb4: {  	[sflag:s17] =	ssyncadd.s32 $0xFFFFC180  }
0xb5: {  	s0 =	sor.u32 $0x1C04, s6;
	[bflag:$0x0] =	sbarrier.arrive $0xFFFF  }
0xb6: {  	[hbm:s12], [sflag:s0] =	dma.local [spmem:s15], $0x2700  }
0xb7: {  	_ =	swait.ge [sflag:s17], $0x2700  }
0xb8: {  	s29 =	sadd.s32 $0x1, s29;
	[sflag:s17] =	ssyncset.done $0x0  }
0xb9: {  	p1 =	sne.s32 s29, s14;
	[sflag:s17] =	ssyncadd.s32 $0xFFFFD900  }
0xba: {  	[hbm:s13], [sflag:s0] =	dma.local @!p0 [spmem:s16], $0x100  }
.Ltmp2:
0xbb: {  	_ = 	snop;
	(pc) =	sbr.rel @p1 .LBB2_1-.Ltmp2, $4  }
0xbc: {  	s0 =	simm.s32 @!p0 $0x4  }
0xbd: {  	_ =	swait.ge @!p0 [sflag:s0], $0x100  }
0xbe: {  	[sflag:s0] =	ssyncset.done @!p0 $0x0  }
0xbf: {  	[sflag:s0] =	ssyncadd.s32 @!p0 $0xFFFFFF00  }
0xc0: {  	_ =	sfence.sel $0x180000  }
0xc1: {  	[bflag:$0x0] =	sbarrier.arrive $0xFFFF  }
0xc2: {  	_ =	strace $0x9000004A  }
0xc3: {  	s0 =	stileid.u32;
	[bflag:$0x2] =	sbarrier.arrive $0xFFFF  }
0xc4: {  	p0 =	sne.s32 s0, $0x0;
	s0 =	rddreg [dreg:$0x3]  }
0xc5: {  	s0 =	sadd.s32 @!p0 $0x100000, s0  }
0xc6: {  	[sflag:s0] =	ssyncadd.tile.s32 @!p0 $0x1;
	_ =	shalt  }
.Lfunc_end2:
_tile_overlayer_lowered:
.L_overlay_start_2:
0xc7: {  	(tag) =	ssettag $0x2  }
0xc8: {  	s0 =	rddreg [dreg:$0x0];
	s2 =	stileid.u32  }
0xc9: {  	s1 =	rddreg [dreg:$0x1];
	p0 =	sne.s32 s2, $0x0  }
0xca: {  	s3 =	rddreg [dreg:$0x2];
	[bflag:$0x3] =	sbarrier.arrive $0xFFFF;
	s2 =	simm.s32 @!p0 $0x1C04  }
0xcb: {  	[timem:s3], [sflag:s2] =	dma.local @!p0 [hbm:s0], s1  }
0xcc: {  	s0 =	simm.s32 @!p0 $0x4  }
0xcd: {  	_ =	swait.ge @!p0 [sflag:s0], s1  }
0xce: {  	s1 =	ssub.s32 @!p0 $0x0, s1;
	[sflag:s0] =	ssyncset.done @!p0 $0x0  }
0xcf: {  	[sflag:s0] =	ssyncadd.s32 @!p0 s1  }
0xd0: {  	[bflag:$0x3] =	sbarrier.arrive $0xFFFF  }
0xd1: {  	_ =	shalt  }

</sc_bundles>
